<compile_context>
chip_gen: v7x
topology: tpu7x:2x2x1
jax: 0.10.2.dev20260603
libtpu: 0.0.44.dev20260713+nightly
codegen_flags: <defaults>
</compile_context>

<pallas_src>
import functools

import jax
import jax.numpy as jnp
from jax import lax
from jax.experimental import pallas as pl
from jax.experimental.pallas import tpu as pltpu
from jax.experimental.pallas import tpu_sc as plsc

NC = 2
NS = 16
NW = NC * NS
L = 16


@functools.lru_cache(maxsize=None)
def _build(B, F, V, D, NB):
    N = B * F
    CH = NB * F
    per_w_b = B // NW
    per_w = per_w_b * F
    n_ch = per_w_b // NB
    assert n_ch % 2 == 0
    mesh = plsc.VectorSubcoreMesh(core_axis_name="c", subcore_axis_name="s")

    @functools.partial(
        pl.kernel,
        mesh=mesh,
        out_type=jax.ShapeDtypeStruct((B, 32, 128), jnp.float32),
        compiler_params=pltpu.CompilerParams(use_tc_tiling_on_sc=False),
        scratch_types=[
            pltpu.VMEM((CH,), jnp.int32),
            pltpu.VMEM((CH,), jnp.int32),
            pltpu.VMEM((CH, D), jnp.float32),
            pltpu.VMEM((CH, D), jnp.float32),
            pltpu.SemaphoreType.DMA,
            pltpu.SemaphoreType.DMA,
            pltpu.SemaphoreType.DMA,
            pltpu.SemaphoreType.DMA,
        ],
    )
    def gather_kernel(idx_hbm, table_hbm, out_hbm,
                      idx_v0, idx_v1, rows_v0, rows_v1,
                      gsem0, gsem1, wsem0, wsem1):
        idx_vs = (idx_v0, idx_v1)
        rows_vs = (rows_v0, rows_v1)
        gsems = (gsem0, gsem1)
        wsems = (wsem0, wsem1)

        wid = lax.axis_index("s") * NC + lax.axis_index("c")
        base_row = wid * per_w
        base_b = wid * per_w_b

        def fire(i, s):
            off = base_row + i * CH
            pltpu.sync_copy(idx_hbm.at[pl.ds(off, CH)], idx_vs[s])
            pltpu.async_copy(table_hbm.at[idx_vs[s]], rows_vs[s], gsems[s])

        def drain_gather(s):
            pltpu.make_async_copy(
                table_hbm.at[pl.ds(0, CH)], rows_vs[s], gsems[s]
            ).wait()

        def writeback(i, s):
            bb = base_b + i * NB
            for k in range(NB):
                pltpu.async_copy(
                    rows_vs[s].at[pl.ds(k * F, F)],
                    out_hbm.at[bb + k, pl.ds(0, F), pl.ds(0, D)],
                    wsems[s],
                )

        def drain_write(s):
            for _ in range(NB):
                pltpu.make_async_copy(
                    rows_vs[s].at[pl.ds(0, F)],
                    out_hbm.at[base_b, pl.ds(0, F), pl.ds(0, D)],
                    wsems[s],
                ).wait()

        fire(0, 0)

        def body(i2, _):
            for k in range(2):
                i = 2 * i2 + k
                s = k
                drain_gather(s)
                writeback(i, s)

                @pl.when(i + 1 < n_ch)
                def _():
                    @pl.when(i >= 1)
                    def _():
                        drain_write(1 - s)

                    fire(i + 1, 1 - s)
            return ()

        lax.fori_loop(0, n_ch // 2, body, ())

        drain_write(0)
        drain_write(1)

    return gather_kernel


def kernel(feature, weight):
    B, F = feature.shape
    V, D = weight.shape
    idx = feature.reshape(B * F).astype(jnp.int32)
    out = _build(B, F, V, D, 8)(idx, weight)
    return out[:, :F, :D]

# --- scband reference (transcript-rebuilt; emitter-appended) ---
"""Pipeline reference for scband-embed-category-45329084842236 (READ-ONLY COPY).

The authoritative reference and input builder live on the scoring server;
editing this copy changes nothing except your own understanding.
"""

import jax, jax.numpy as jnp
import numpy as np

NUM_CLASS = 1000000
EMBED_DIM = 32
BATCH = 16384
FIELDS = 26


def setup_inputs(seed: int = 0) -> dict:
    key = jax.random.key(seed)
    k_idx, k_w = jax.random.split(key)
    feature = jax.random.randint(k_idx, (BATCH, FIELDS), 0, NUM_CLASS, dtype=jnp.int64 if jax.config.jax_enable_x64 else jnp.int32)
    # nn.Embedding default init: N(0, 1)
    weight = jax.random.normal(k_w, (NUM_CLASS, EMBED_DIM), dtype=jnp.float32)
    return {"feature": feature, "weight": weight}


def reference(feature, weight):
    # nn.Embedding forward: gather rows of the table by index
    return jnp.take(weight, feature, axis=0)

if __name__ == "__main__":
    import jax
    _d = setup_inputs()
    print(jax.jit(kernel)(*tuple(_d.values())))

</pallas_src>

<mosaic_0001>
#map = affine_map<(d0, d1) -> (0)>
#map1 = affine_map<(d0, d1) -> (0, 0)>
#map2 = affine_map<(d0, d1) -> (0, 0, 0)>
module attributes {stable_mosaic.version = 14 : i64} {
  func.func @gather_kernel(%arg0: i32, %arg1: i32, %arg2: memref<425984xi32, #tpu.memory_space<hbm>>, %arg3: memref<1000000x32xf32, #tpu.memory_space<hbm>>, %arg4: memref<16384x32x128xf32, #tpu.memory_space<hbm>>, %arg5: memref<208xi32, #tpu.memory_space<vmem>>, %arg6: memref<208xi32, #tpu.memory_space<vmem>>, %arg7: memref<208x32xf32, #tpu.memory_space<vmem>>, %arg8: memref<208x32xf32, #tpu.memory_space<vmem>>, %arg9: memref<!tpu.dma_semaphore, #tpu.memory_space<semaphore_mem>>, %arg10: memref<!tpu.dma_semaphore, #tpu.memory_space<semaphore_mem>>, %arg11: memref<!tpu.dma_semaphore, #tpu.memory_space<semaphore_mem>>, %arg12: memref<!tpu.dma_semaphore, #tpu.memory_space<semaphore_mem>>) attributes {dimension_semantics = [#tpu.dimension_semantics<core_parallel>, #tpu.dimension_semantics<subcore_parallel>], iteration_bounds = array<i64: 2, 16>, scalar_prefetch = 0 : i64, scratch_operands = 8 : i64, tpu.core_type = #tpu.core_type<sc_vector_subcore>, window_params = [{transform_indices = #map}, {transform_indices = #map1}, {transform_indices = #map2}]} {
    %mul3A = arith.constant 2 : i32
    %mul3A_0 = arith.muli %arg1, %mul3A : i32
    %add3A = arith.addi %mul3A_0, %arg0 : i32
    %mul3A_1 = arith.constant 13312 : i32
    %mul3A_2 = arith.muli %add3A, %mul3A_1 : i32
    %mul3A_3 = arith.constant 512 : i32
    %mul3A_4 = arith.muli %add3A, %mul3A_3 : i32
    %add3A_5 = arith.constant 0 : i32
    %add3A_6 = arith.addi %mul3A_2, %add3A_5 : i32
    "tpu.region"() ({
      %run_scoped3A = tpu.sem_alloc : memref<!tpu.dma_semaphore, #tpu.memory_space<semaphore_mem>>
      %dma_start3A_236 = tpu.memref_slice %arg2[%add3A_6] : memref<425984xi32, #tpu.memory_space<hbm>> -> memref<208xi32, #tpu.memory_space<hbm>>
      %dma_start3A_237 = tpu.memref_slice %arg2[%add3A_6] : memref<425984xi32, #tpu.memory_space<hbm>> -> memref<208xi32, #tpu.memory_space<hbm>>
      tpu.enqueue_dma source(%dma_start3A_237 : memref<208xi32, #tpu.memory_space<hbm>>) target(%arg5 : memref<208xi32, #tpu.memory_space<vmem>>) target_semaphore(%run_scoped3A : memref<!tpu.dma_semaphore, #tpu.memory_space<semaphore_mem>>)
      %dma_wait3A_238 = tpu.memref_slice %arg2[%add3A_6] : memref<425984xi32, #tpu.memory_space<hbm>> -> memref<208xi32, #tpu.memory_space<hbm>>
      %dma_wait3A_239 = tpu.memref_slice %arg2[%add3A_6] : memref<425984xi32, #tpu.memory_space<hbm>> -> memref<208xi32, #tpu.memory_space<hbm>>
      tpu.wait_dma2 semaphore(%run_scoped3A : memref<!tpu.dma_semaphore, #tpu.memory_space<semaphore_mem>>) src(%dma_wait3A_239 : memref<208xi32, #tpu.memory_space<hbm>>) dst(%arg5 : memref<208xi32, #tpu.memory_space<vmem>>)
      tpu.yield
    }) : () -> ()
    %dma_start3A = arith.constant 0 : i32
    %dma_start3A_7 = arith.constant 0 : i32
    %dma_start3A_8 = tpu.memref_slice %arg3[%dma_start3A, %dma_start3A_7] : memref<1000000x32xf32, #tpu.memory_space<hbm>> -> memref<1000000x32xf32, #tpu.memory_space<hbm>>
    tpu.enqueue_indirect_dma source(%dma_start3A_8 : memref<1000000x32xf32, #tpu.memory_space<hbm>>) target(%arg7 : memref<208x32xf32, #tpu.memory_space<vmem>>) offsets(%arg5 : memref<208xi32, #tpu.memory_space<vmem>>) semaphore(%arg9 : memref<!tpu.dma_semaphore, #tpu.memory_space<semaphore_mem>>)
    %scan3A = arith.constant 0 : i32
    %scan3A_9 = arith.constant 32 : i32
    %scan3A_10 = arith.addi %scan3A, %scan3A_9 : i32
    %scan3A_11 = arith.constant 1 : i32
    scf.for %scan3A_236 = %scan3A to %scan3A_10 step %scan3A_11  : i32 {
      %mul3A_237 = arith.constant 2 : i32
      %mul3A_238 = arith.muli %mul3A_237, %scan3A_236 : i32
      %add3A_239 = arith.constant 0 : i32
      %add3A_240 = arith.addi %mul3A_238, %add3A_239 : i32
      %dma_wait3A_241 = arith.constant 0 : i32
      %dma_wait3A_242 = arith.constant 0 : i32
      %dma_wait3A_243 = tpu.memref_slice %arg3[%dma_wait3A_241, %dma_wait3A_242] : memref<1000000x32xf32, #tpu.memory_space<hbm>> -> memref<208x32xf32, #tpu.memory_space<hbm>>
      %dma_wait3A_244 = arith.constant 0 : i32
      %dma_wait3A_245 = arith.constant 0 : i32
      %dma_wait3A_246 = tpu.memref_slice %arg3[%dma_wait3A_244, %dma_wait3A_245] : memref<1000000x32xf32, #tpu.memory_space<hbm>> -> memref<208x32xf32, #tpu.memory_space<hbm>>
      tpu.wait_dma2 semaphore(%arg9 : memref<!tpu.dma_semaphore, #tpu.memory_space<semaphore_mem>>) src(%dma_wait3A_246 : memref<208x32xf32, #tpu.memory_space<hbm>>) dst(%arg7 : memref<208x32xf32, #tpu.memory_space<vmem>>)
      %mul3A_247 = arith.constant 8 : i32
      %mul3A_248 = arith.muli %add3A_240, %mul3A_247 : i32
      %add3A_249 = arith.addi %mul3A_4, %mul3A_248 : i32
      %add3A_250 = arith.constant 0 : i32
      %add3A_251 = arith.addi %add3A_249, %add3A_250 : i32
      %dma_start3A_252 = arith.constant 0 : i32
      %dma_start3A_253 = arith.constant 0 : i32
      %dma_start3A_254 = tpu.memref_slice %arg7[%dma_start3A_252, %dma_start3A_253] : memref<208x32xf32, #tpu.memory_space<vmem>> -> memref<26x32xf32, #tpu.memory_space<vmem>>
      %dma_start3A_255 = arith.constant 0 : i32
      %dma_start3A_256 = arith.constant 0 : i32
      %dma_start3A_257 = tpu.memref_slice %arg4[%add3A_251, %dma_start3A_255, %dma_start3A_256] : memref<16384x32x128xf32, #tpu.memory_space<hbm>> -> memref<1x26x32xf32, #tpu.memory_space<hbm>>
      %dma_start3A_258 = tpu.memref_squeeze %dma_start3A_257 : memref<1x26x32xf32, #tpu.memory_space<hbm>> -> memref<26x32xf32, #tpu.memory_space<hbm>>
      %dma_start3A_259 = arith.constant 0 : i32
      %dma_start3A_260 = arith.constant 0 : i32
      %dma_start3A_261 = tpu.memref_slice %arg4[%add3A_251, %dma_start3A_259, %dma_start3A_260] : memref<16384x32x128xf32, #tpu.memory_space<hbm>> -> memref<1x26x32xf32, #tpu.memory_space<hbm>>
      %dma_start3A_262 = tpu.memref_squeeze %dma_start3A_261 : memref<1x26x32xf32, #tpu.memory_space<hbm>> -> memref<26x32xf32, #tpu.memory_space<hbm>>
      %dma_start3A_263 = arith.constant 0 : i32
      %dma_start3A_264 = arith.constant 0 : i32
      %dma_start3A_265 = tpu.memref_slice %arg7[%dma_start3A_263, %dma_start3A_264] : memref<208x32xf32, #tpu.memory_space<vmem>> -> memref<26x32xf32, #tpu.memory_space<vmem>>
      tpu.enqueue_dma source(%dma_start3A_265 : memref<26x32xf32, #tpu.memory_space<vmem>>) target(%dma_start3A_262 : memref<26x32xf32, #tpu.memory_space<hbm>>) target_semaphore(%arg11 : memref<!tpu.dma_semaphore, #tpu.memory_space<semaphore_mem>>)
      %add3A_266 = arith.constant 1 : i32
      %add3A_267 = arith.addi %add3A_249, %add3A_266 : i32
      %dma_start3A_268 = arith.constant 26 : i32
      %dma_start3A_269 = arith.constant 0 : i32
      %dma_start3A_270 = tpu.memref_slice %arg7[%dma_start3A_268, %dma_start3A_269] : memref<208x32xf32, #tpu.memory_space<vmem>> -> memref<26x32xf32, #tpu.memory_space<vmem>>
      %dma_start3A_271 = arith.constant 0 : i32
      %dma_start3A_272 = arith.constant 0 : i32
      %dma_start3A_273 = tpu.memref_slice %arg4[%add3A_267, %dma_start3A_271, %dma_start3A_272] : memref<16384x32x128xf32, #tpu.memory_space<hbm>> -> memref<1x26x32xf32, #tpu.memory_space<hbm>>
      %dma_start3A_274 = tpu.memref_squeeze %dma_start3A_273 : memref<1x26x32xf32, #tpu.memory_space<hbm>> -> memref<26x32xf32, #tpu.memory_space<hbm>>
      %dma_start3A_275 = arith.constant 0 : i32
      %dma_start3A_276 = arith.constant 0 : i32
      %dma_start3A_277 = tpu.memref_slice %arg4[%add3A_267, %dma_start3A_275, %dma_start3A_276] : memref<16384x32x128xf32, #tpu.memory_space<hbm>> -> memref<1x26x32xf32, #tpu.memory_space<hbm>>
      %dma_start3A_278 = tpu.memref_squeeze %dma_start3A_277 : memref<1x26x32xf32, #tpu.memory_space<hbm>> -> memref<26x32xf32, #tpu.memory_space<hbm>>
      %dma_start3A_279 = arith.constant 26 : i32
      %dma_start3A_280 = arith.constant 0 : i32
      %dma_start3A_281 = tpu.memref_slice %arg7[%dma_start3A_279, %dma_start3A_280] : memref<208x32xf32, #tpu.memory_space<vmem>> -> memref<26x32xf32, #tpu.memory_space<vmem>>
      tpu.enqueue_dma source(%dma_start3A_281 : memref<26x32xf32, #tpu.memory_space<vmem>>) target(%dma_start3A_278 : memref<26x32xf32, #tpu.memory_space<hbm>>) target_semaphore(%arg11 : memref<!tpu.dma_semaphore, #tpu.memory_space<semaphore_mem>>)
      %add3A_282 = arith.constant 2 : i32
      %add3A_283 = arith.addi %add3A_249, %add3A_282 : i32
      %dma_start3A_284 = arith.constant 52 : i32
      %dma_start3A_285 = arith.constant 0 : i32
      %dma_start3A_286 = tpu.memref_slice %arg7[%dma_start3A_284, %dma_start3A_285] : memref<208x32xf32, #tpu.memory_space<vmem>> -> memref<26x32xf32, #tpu.memory_space<vmem>>
      %dma_start3A_287 = arith.constant 0 : i32
      %dma_start3A_288 = arith.constant 0 : i32
      %dma_start3A_289 = tpu.memref_slice %arg4[%add3A_283, %dma_start3A_287, %dma_start3A_288] : memref<16384x32x128xf32, #tpu.memory_space<hbm>> -> memref<1x26x32xf32, #tpu.memory_space<hbm>>
      %dma_start3A_290 = tpu.memref_squeeze %dma_start3A_289 : memref<1x26x32xf32, #tpu.memory_space<hbm>> -> memref<26x32xf32, #tpu.memory_space<hbm>>
      %dma_start3A_291 = arith.constant 0 : i32
      %dma_start3A_292 = arith.constant 0 : i32
      %dma_start3A_293 = tpu.memref_slice %arg4[%add3A_283, %dma_start3A_291, %dma_start3A_292] : memref<16384x32x128xf32, #tpu.memory_space<hbm>> -> memref<1x26x32xf32, #tpu.memory_space<hbm>>
      %dma_start3A_294 = tpu.memref_squeeze %dma_start3A_293 : memref<1x26x32xf32, #tpu.memory_space<hbm>> -> memref<26x32xf32, #tpu.memory_space<hbm>>
      %dma_start3A_295 = arith.constant 52 : i32
      %dma_start3A_296 = arith.constant 0 : i32
      %dma_start3A_297 = tpu.memref_slice %arg7[%dma_start3A_295, %dma_start3A_296] : memref<208x32xf32, #tpu.memory_space<vmem>> -> memref<26x32xf32, #tpu.memory_space<vmem>>
      tpu.enqueue_dma source(%dma_start3A_297 : memref<26x32xf32, #tpu.memory_space<vmem>>) target(%dma_start3A_294 : memref<26x32xf32, #tpu.memory_space<hbm>>) target_semaphore(%arg11 : memref<!tpu.dma_semaphore, #tpu.memory_space<semaphore_mem>>)
      %add3A_298 = arith.constant 3 : i32
      %add3A_299 = arith.addi %add3A_249, %add3A_298 : i32
      %dma_start3A_300 = arith.constant 78 : i32
      %dma_start3A_301 = arith.constant 0 : i32
      %dma_start3A_302 = tpu.memref_slice %arg7[%dma_start3A_300, %dma_start3A_301] : memref<208x32xf32, #tpu.memory_space<vmem>> -> memref<26x32xf32, #tpu.memory_space<vmem>>
      %dma_start3A_303 = arith.constant 0 : i32
      %dma_start3A_304 = arith.constant 0 : i32
      %dma_start3A_305 = tpu.memref_slice %arg4[%add3A_299, %dma_start3A_303, %dma_start3A_304] : memref<16384x32x128xf32, #tpu.memory_space<hbm>> -> memref<1x26x32xf32, #tpu.memory_space<hbm>>
      %dma_start3A_306 = tpu.memref_squeeze %dma_start3A_305 : memref<1x26x32xf32, #tpu.memory_space<hbm>> -> memref<26x32xf32, #tpu.memory_space<hbm>>
      %dma_start3A_307 = arith.constant 0 : i32
      %dma_start3A_308 = arith.constant 0 : i32
      %dma_start3A_309 = tpu.memref_slice %arg4[%add3A_299, %dma_start3A_307, %dma_start3A_308] : memref<16384x32x128xf32, #tpu.memory_space<hbm>> -> memref<1x26x32xf32, #tpu.memory_space<hbm>>
      %dma_start3A_310 = tpu.memref_squeeze %dma_start3A_309 : memref<1x26x32xf32, #tpu.memory_space<hbm>> -> memref<26x32xf32, #tpu.memory_space<hbm>>
      %dma_start3A_311 = arith.constant 78 : i32
      %dma_start3A_312 = arith.constant 0 : i32
      %dma_start3A_313 = tpu.memref_slice %arg7[%dma_start3A_311, %dma_start3A_312] : memref<208x32xf32, #tpu.memory_space<vmem>> -> memref<26x32xf32, #tpu.memory_space<vmem>>
      tpu.enqueue_dma source(%dma_start3A_313 : memref<26x32xf32, #tpu.memory_space<vmem>>) target(%dma_start3A_310 : memref<26x32xf32, #tpu.memory_space<hbm>>) target_semaphore(%arg11 : memref<!tpu.dma_semaphore, #tpu.memory_space<semaphore_mem>>)
      %add3A_314 = arith.constant 4 : i32
      %add3A_315 = arith.addi %add3A_249, %add3A_314 : i32
      %dma_start3A_316 = arith.constant 104 : i32
      %dma_start3A_317 = arith.constant 0 : i32
      %dma_start3A_318 = tpu.memref_slice %arg7[%dma_start3A_316, %dma_start3A_317] : memref<208x32xf32, #tpu.memory_space<vmem>> -> memref<26x32xf32, #tpu.memory_space<vmem>>
      %dma_start3A_319 = arith.constant 0 : i32
      %dma_start3A_320 = arith.constant 0 : i32
      %dma_start3A_321 = tpu.memref_slice %arg4[%add3A_315, %dma_start3A_319, %dma_start3A_320] : memref<16384x32x128xf32, #tpu.memory_space<hbm>> -> memref<1x26x32xf32, #tpu.memory_space<hbm>>
      %dma_start3A_322 = tpu.memref_squeeze %dma_start3A_321 : memref<1x26x32xf32, #tpu.memory_space<hbm>> -> memref<26x32xf32, #tpu.memory_space<hbm>>
      %dma_start3A_323 = arith.constant 0 : i32
      %dma_start3A_324 = arith.constant 0 : i32
      %dma_start3A_325 = tpu.memref_slice %arg4[%add3A_315, %dma_start3A_323, %dma_start3A_324] : memref<16384x32x128xf32, #tpu.memory_space<hbm>> -> memref<1x26x32xf32, #tpu.memory_space<hbm>>
      %dma_start3A_326 = tpu.memref_squeeze %dma_start3A_325 : memref<1x26x32xf32, #tpu.memory_space<hbm>> -> memref<26x32xf32, #tpu.memory_space<hbm>>
      %dma_start3A_327 = arith.constant 104 : i32
      %dma_start3A_328 = arith.constant 0 : i32
      %dma_start3A_329 = tpu.memref_slice %arg7[%dma_start3A_327, %dma_start3A_328] : memref<208x32xf32, #tpu.memory_space<vmem>> -> memref<26x32xf32, #tpu.memory_space<vmem>>
      tpu.enqueue_dma source(%dma_start3A_329 : memref<26x32xf32, #tpu.memory_space<vmem>>) target(%dma_start3A_326 : memref<26x32xf32, #tpu.memory_space<hbm>>) target_semaphore(%arg11 : memref<!tpu.dma_semaphore, #tpu.memory_space<semaphore_mem>>)
      %add3A_330 = arith.constant 5 : i32
      %add3A_331 = arith.addi %add3A_249, %add3A_330 : i32
      %dma_start3A_332 = arith.constant 130 : i32
      %dma_start3A_333 = arith.constant 0 : i32
      %dma_start3A_334 = tpu.memref_slice %arg7[%dma_start3A_332, %dma_start3A_333] : memref<208x32xf32, #tpu.memory_space<vmem>> -> memref<26x32xf32, #tpu.memory_space<vmem>>
      %dma_start3A_335 = arith.constant 0 : i32
      %dma_start3A_336 = arith.constant 0 : i32
      %dma_start3A_337 = tpu.memref_slice %arg4[%add3A_331, %dma_start3A_335, %dma_start3A_336] : memref<16384x32x128xf32, #tpu.memory_space<hbm>> -> memref<1x26x32xf32, #tpu.memory_space<hbm>>
      %dma_start3A_338 = tpu.memref_squeeze %dma_start3A_337 : memref<1x26x32xf32, #tpu.memory_space<hbm>> -> memref<26x32xf32, #tpu.memory_space<hbm>>
      %dma_start3A_339 = arith.constant 0 : i32
      %dma_start3A_340 = arith.constant 0 : i32
      %dma_start3A_341 = tpu.memref_slice %arg4[%add3A_331, %dma_start3A_339, %dma_start3A_340] : memref<16384x32x128xf32, #tpu.memory_space<hbm>> -> memref<1x26x32xf32, #tpu.memory_space<hbm>>
      %dma_start3A_342 = tpu.memref_squeeze %dma_start3A_341 : memref<1x26x32xf32, #tpu.memory_space<hbm>> -> memref<26x32xf32, #tpu.memory_space<hbm>>
      %dma_start3A_343 = arith.constant 130 : i32
      %dma_start3A_344 = arith.constant 0 : i32
      %dma_start3A_345 = tpu.memref_slice %arg7[%dma_start3A_343, %dma_start3A_344] : memref<208x32xf32, #tpu.memory_space<vmem>> -> memref<26x32xf32, #tpu.memory_space<vmem>>
      tpu.enqueue_dma source(%dma_start3A_345 : memref<26x32xf32, #tpu.memory_space<vmem>>) target(%dma_start3A_342 : memref<26x32xf32, #tpu.memory_space<hbm>>) target_semaphore(%arg11 : memref<!tpu.dma_semaphore, #tpu.memory_space<semaphore_mem>>)
      %add3A_346 = arith.constant 6 : i32
      %add3A_347 = arith.addi %add3A_249, %add3A_346 : i32
      %dma_start3A_348 = arith.constant 156 : i32
      %dma_start3A_349 = arith.constant 0 : i32
      %dma_start3A_350 = tpu.memref_slice %arg7[%dma_start3A_348, %dma_start3A_349] : memref<208x32xf32, #tpu.memory_space<vmem>> -> memref<26x32xf32, #tpu.memory_space<vmem>>
      %dma_start3A_351 = arith.constant 0 : i32
      %dma_start3A_352 = arith.constant 0 : i32
      %dma_start3A_353 = tpu.memref_slice %arg4[%add3A_347, %dma_start3A_351, %dma_start3A_352] : memref<16384x32x128xf32, #tpu.memory_space<hbm>> -> memref<1x26x32xf32, #tpu.memory_space<hbm>>
      %dma_start3A_354 = tpu.memref_squeeze %dma_start3A_353 : memref<1x26x32xf32, #tpu.memory_space<hbm>> -> memref<26x32xf32, #tpu.memory_space<hbm>>
      %dma_start3A_355 = arith.constant 0 : i32
      %dma_start3A_356 = arith.constant 0 : i32
      %dma_start3A_357 = tpu.memref_slice %arg4[%add3A_347, %dma_start3A_355, %dma_start3A_356] : memref<16384x32x128xf32, #tpu.memory_space<hbm>> -> memref<1x26x32xf32, #tpu.memory_space<hbm>>
      %dma_start3A_358 = tpu.memref_squeeze %dma_start3A_357 : memref<1x26x32xf32, #tpu.memory_space<hbm>> -> memref<26x32xf32, #tpu.memory_space<hbm>>
      %dma_start3A_359 = arith.constant 156 : i32
      %dma_start3A_360 = arith.constant 0 : i32
      %dma_start3A_361 = tpu.memref_slice %arg7[%dma_start3A_359, %dma_start3A_360] : memref<208x32xf32, #tpu.memory_space<vmem>> -> memref<26x32xf32, #tpu.memory_space<vmem>>
      tpu.enqueue_dma source(%dma_start3A_361 : memref<26x32xf32, #tpu.memory_space<vmem>>) target(%dma_start3A_358 : memref<26x32xf32, #tpu.memory_space<hbm>>) target_semaphore(%arg11 : memref<!tpu.dma_semaphore, #tpu.memory_space<semaphore_mem>>)
      %add3A_362 = arith.constant 7 : i32
      %add3A_363 = arith.addi %add3A_249, %add3A_362 : i32
      %dma_start3A_364 = arith.constant 182 : i32
      %dma_start3A_365 = arith.constant 0 : i32
      %dma_start3A_366 = tpu.memref_slice %arg7[%dma_start3A_364, %dma_start3A_365] : memref<208x32xf32, #tpu.memory_space<vmem>> -> memref<26x32xf32, #tpu.memory_space<vmem>>
      %dma_start3A_367 = arith.constant 0 : i32
      %dma_start3A_368 = arith.constant 0 : i32
      %dma_start3A_369 = tpu.memref_slice %arg4[%add3A_363, %dma_start3A_367, %dma_start3A_368] : memref<16384x32x128xf32, #tpu.memory_space<hbm>> -> memref<1x26x32xf32, #tpu.memory_space<hbm>>
      %dma_start3A_370 = tpu.memref_squeeze %dma_start3A_369 : memref<1x26x32xf32, #tpu.memory_space<hbm>> -> memref<26x32xf32, #tpu.memory_space<hbm>>
      %dma_start3A_371 = arith.constant 0 : i32
      %dma_start3A_372 = arith.constant 0 : i32
      %dma_start3A_373 = tpu.memref_slice %arg4[%add3A_363, %dma_start3A_371, %dma_start3A_372] : memref<16384x32x128xf32, #tpu.memory_space<hbm>> -> memref<1x26x32xf32, #tpu.memory_space<hbm>>
      %dma_start3A_374 = tpu.memref_squeeze %dma_start3A_373 : memref<1x26x32xf32, #tpu.memory_space<hbm>> -> memref<26x32xf32, #tpu.memory_space<hbm>>
      %dma_start3A_375 = arith.constant 182 : i32
      %dma_start3A_376 = arith.constant 0 : i32
      %dma_start3A_377 = tpu.memref_slice %arg7[%dma_start3A_375, %dma_start3A_376] : memref<208x32xf32, #tpu.memory_space<vmem>> -> memref<26x32xf32, #tpu.memory_space<vmem>>
      tpu.enqueue_dma source(%dma_start3A_377 : memref<26x32xf32, #tpu.memory_space<vmem>>) target(%dma_start3A_374 : memref<26x32xf32, #tpu.memory_space<hbm>>) target_semaphore(%arg11 : memref<!tpu.dma_semaphore, #tpu.memory_space<semaphore_mem>>)
      %add3A_378 = arith.constant 1 : i32
      %add3A_379 = arith.addi %add3A_240, %add3A_378 : i32
      %lt3A = arith.constant 64 : i32
      %lt3A_380 = arith.cmpi slt, %add3A_379, %lt3A : i32
      %convert_element_type3A = arith.extui %lt3A_380 : i1 to i32
      %cond3A = arith.constant 0 : i32
      %cond3A_381 = arith.cmpi ne, %convert_element_type3A, %cond3A : i32
      scf.if %cond3A_381 {
        %ge3A = arith.constant 1 : i32
        %ge3A_530 = arith.cmpi sge, %add3A_240, %ge3A : i32
        %convert_element_type3A_531 = arith.extui %ge3A_530 : i1 to i32
        %cond3A_532 = arith.constant 0 : i32
        %cond3A_533 = arith.cmpi ne, %convert_element_type3A_531, %cond3A_532 : i32
        scf.if %cond3A_533 {
          %dma_wait3A_542 = arith.constant 0 : i32
          %dma_wait3A_543 = arith.constant 0 : i32
          %dma_wait3A_544 = tpu.memref_slice %arg8[%dma_wait3A_542, %dma_wait3A_543] : memref<208x32xf32, #tpu.memory_space<vmem>> -> memref<26x32xf32, #tpu.memory_space<vmem>>
          %dma_wait3A_545 = arith.constant 0 : i32
          %dma_wait3A_546 = arith.constant 0 : i32
          %dma_wait3A_547 = tpu.memref_slice %arg4[%mul3A_4, %dma_wait3A_545, %dma_wait3A_546] : memref<16384x32x128xf32, #tpu.memory_space<hbm>> -> memref<1x26x32xf32, #tpu.memory_space<hbm>>
          %dma_wait3A_548 = tpu.memref_squeeze %dma_wait3A_547 : memref<1x26x32xf32, #tpu.memory_space<hbm>> -> memref<26x32xf32, #tpu.memory_space<hbm>>
          %dma_wait3A_549 = arith.constant 0 : i32
          %dma_wait3A_550 = arith.constant 0 : i32
          %dma_wait3A_551 = tpu.memref_slice %arg4[%mul3A_4, %dma_wait3A_549, %dma_wait3A_550] : memref<16384x32x128xf32, #tpu.memory_space<hbm>> -> memref<1x26x32xf32, #tpu.memory_space<hbm>>
          %dma_wait3A_552 = tpu.memref_squeeze %dma_wait3A_551 : memref<1x26x32xf32, #tpu.memory_space<hbm>> -> memref<26x32xf32, #tpu.memory_space<hbm>>
          %dma_wait3A_553 = arith.constant 0 : i32
          %dma_wait3A_554 = arith.constant 0 : i32
          %dma_wait3A_555 = tpu.memref_slice %arg8[%dma_wait3A_553, %dma_wait3A_554] : memref<208x32xf32, #tpu.memory_space<vmem>> -> memref<26x32xf32, #tpu.memory_space<vmem>>
          tpu.wait_dma2 semaphore(%arg12 : memref<!tpu.dma_semaphore, #tpu.memory_space<semaphore_mem>>) src(%dma_wait3A_555 : memref<26x32xf32, #tpu.memory_space<vmem>>) dst(%dma_wait3A_552 : memref<26x32xf32, #tpu.memory_space<hbm>>)
          %dma_wait3A_556 = arith.constant 0 : i32
          %dma_wait3A_557 = arith.constant 0 : i32
          %dma_wait3A_558 = tpu.memref_slice %arg8[%dma_wait3A_556, %dma_wait3A_557] : memref<208x32xf32, #tpu.memory_space<vmem>> -> memref<26x32xf32, #tpu.memory_space<vmem>>
          %dma_wait3A_559 = arith.constant 0 : i32
          %dma_wait3A_560 = arith.constant 0 : i32
          %dma_wait3A_561 = tpu.memref_slice %arg4[%mul3A_4, %dma_wait3A_559, %dma_wait3A_560] : memref<16384x32x128xf32, #tpu.memory_space<hbm>> -> memref<1x26x32xf32, #tpu.memory_space<hbm>>
          %dma_wait3A_562 = tpu.memref_squeeze %dma_wait3A_561 : memref<1x26x32xf32, #tpu.memory_space<hbm>> -> memref<26x32xf32, #tpu.memory_space<hbm>>
          %dma_wait3A_563 = arith.constant 0 : i32
          %dma_wait3A_564 = arith.constant 0 : i32
          %dma_wait3A_565 = tpu.memref_slice %arg4[%mul3A_4, %dma_wait3A_563, %dma_wait3A_564] : memref<16384x32x128xf32, #tpu.memory_space<hbm>> -> memref<1x26x32xf32, #tpu.memory_space<hbm>>
          %dma_wait3A_566 = tpu.memref_squeeze %dma_wait3A_565 : memref<1x26x32xf32, #tpu.memory_space<hbm>> -> memref<26x32xf32, #tpu.memory_space<hbm>>
          %dma_wait3A_567 = arith.constant 0 : i32
          %dma_wait3A_568 = arith.constant 0 : i32
          %dma_wait3A_569 = tpu.memref_slice %arg8[%dma_wait3A_567, %dma_wait3A_568] : memref<208x32xf32, #tpu.memory_space<vmem>> -> memref<26x32xf32, #tpu.memory_space<vmem>>
          tpu.wait_dma2 semaphore(%arg12 : memref<!tpu.dma_semaphore, #tpu.memory_space<semaphore_mem>>) src(%dma_wait3A_569 : memref<26x32xf32, #tpu.memory_space<vmem>>) dst(%dma_wait3A_566 : memref<26x32xf32, #tpu.memory_space<hbm>>)
          %dma_wait3A_570 = arith.constant 0 : i32
          %dma_wait3A_571 = arith.constant 0 : i32
          %dma_wait3A_572 = tpu.memref_slice %arg8[%dma_wait3A_570, %dma_wait3A_571] : memref<208x32xf32, #tpu.memory_space<vmem>> -> memref<26x32xf32, #tpu.memory_space<vmem>>
          %dma_wait3A_573 = arith.constant 0 : i32
          %dma_wait3A_574 = arith.constant 0 : i32
          %dma_wait3A_575 = tpu.memref_slice %arg4[%mul3A_4, %dma_wait3A_573, %dma_wait3A_574] : memref<16384x32x128xf32, #tpu.memory_space<hbm>> -> memref<1x26x32xf32, #tpu.memory_space<hbm>>
          %dma_wait3A_576 = tpu.memref_squeeze %dma_wait3A_575 : memref<1x26x32xf32, #tpu.memory_space<hbm>> -> memref<26x32xf32, #tpu.memory_space<hbm>>
          %dma_wait3A_577 = arith.constant 0 : i32
          %dma_wait3A_578 = arith.constant 0 : i32
          %dma_wait3A_579 = tpu.memref_slice %arg4[%mul3A_4, %dma_wait3A_577, %dma_wait3A_578] : memref<16384x32x128xf32, #tpu.memory_space<hbm>> -> memref<1x26x32xf32, #tpu.memory_space<hbm>>
          %dma_wait3A_580 = tpu.memref_squeeze %dma_wait3A_579 : memref<1x26x32xf32, #tpu.memory_space<hbm>> -> memref<26x32xf32, #tpu.memory_space<hbm>>
          %dma_wait3A_581 = arith.constant 0 : i32
          %dma_wait3A_582 = arith.constant 0 : i32
          %dma_wait3A_583 = tpu.memref_slice %arg8[%dma_wait3A_581, %dma_wait3A_582] : memref<208x32xf32, #tpu.memory_space<vmem>> -> memref<26x32xf32, #tpu.memory_space<vmem>>
          tpu.wait_dma2 semaphore(%arg12 : memref<!tpu.dma_semaphore, #tpu.memory_space<semaphore_mem>>) src(%dma_wait3A_583 : memref<26x32xf32, #tpu.memory_space<vmem>>) dst(%dma_wait3A_580 : memref<26x32xf32, #tpu.memory_space<hbm>>)
          %dma_wait3A_584 = arith.constant 0 : i32
          %dma_wait3A_585 = arith.constant 0 : i32
          %dma_wait3A_586 = tpu.memref_slice %arg8[%dma_wait3A_584, %dma_wait3A_585] : memref<208x32xf32, #tpu.memory_space<vmem>> -> memref<26x32xf32, #tpu.memory_space<vmem>>
          %dma_wait3A_587 = arith.constant 0 : i32
          %dma_wait3A_588 = arith.constant 0 : i32
          %dma_wait3A_589 = tpu.memref_slice %arg4[%mul3A_4, %dma_wait3A_587, %dma_wait3A_588] : memref<16384x32x128xf32, #tpu.memory_space<hbm>> -> memref<1x26x32xf32, #tpu.memory_space<hbm>>
          %dma_wait3A_590 = tpu.memref_squeeze %dma_wait3A_589 : memref<1x26x32xf32, #tpu.memory_space<hbm>> -> memref<26x32xf32, #tpu.memory_space<hbm>>
          %dma_wait3A_591 = arith.constant 0 : i32
          %dma_wait3A_592 = arith.constant 0 : i32
          %dma_wait3A_593 = tpu.memref_slice %arg4[%mul3A_4, %dma_wait3A_591, %dma_wait3A_592] : memref<16384x32x128xf32, #tpu.memory_space<hbm>> -> memref<1x26x32xf32, #tpu.memory_space<hbm>>
          %dma_wait3A_594 = tpu.memref_squeeze %dma_wait3A_593 : memref<1x26x32xf32, #tpu.memory_space<hbm>> -> memref<26x32xf32, #tpu.memory_space<hbm>>
          %dma_wait3A_595 = arith.constant 0 : i32
          %dma_wait3A_596 = arith.constant 0 : i32
          %dma_wait3A_597 = tpu.memref_slice %arg8[%dma_wait3A_595, %dma_wait3A_596] : memref<208x32xf32, #tpu.memory_space<vmem>> -> memref<26x32xf32, #tpu.memory_space<vmem>>
          tpu.wait_dma2 semaphore(%arg12 : memref<!tpu.dma_semaphore, #tpu.memory_space<semaphore_mem>>) src(%dma_wait3A_597 : memref<26x32xf32, #tpu.memory_space<vmem>>) dst(%dma_wait3A_594 : memref<26x32xf32, #tpu.memory_space<hbm>>)
          %dma_wait3A_598 = arith.constant 0 : i32
          %dma_wait3A_599 = arith.constant 0 : i32
          %dma_wait3A_600 = tpu.memref_slice %arg8[%dma_wait3A_598, %dma_wait3A_599] : memref<208x32xf32, #tpu.memory_space<vmem>> -> memref<26x32xf32, #tpu.memory_space<vmem>>
          %dma_wait3A_601 = arith.constant 0 : i32
          %dma_wait3A_602 = arith.constant 0 : i32
          %dma_wait3A_603 = tpu.memref_slice %arg4[%mul3A_4, %dma_wait3A_601, %dma_wait3A_602] : memref<16384x32x128xf32, #tpu.memory_space<hbm>> -> memref<1x26x32xf32, #tpu.memory_space<hbm>>
          %dma_wait3A_604 = tpu.memref_squeeze %dma_wait3A_603 : memref<1x26x32xf32, #tpu.memory_space<hbm>> -> memref<26x32xf32, #tpu.memory_space<hbm>>
          %dma_wait3A_605 = arith.constant 0 : i32
          %dma_wait3A_606 = arith.constant 0 : i32
          %dma_wait3A_607 = tpu.memref_slice %arg4[%mul3A_4, %dma_wait3A_605, %dma_wait3A_606] : memref<16384x32x128xf32, #tpu.memory_space<hbm>> -> memref<1x26x32xf32, #tpu.memory_space<hbm>>
          %dma_wait3A_608 = tpu.memref_squeeze %dma_wait3A_607 : memref<1x26x32xf32, #tpu.memory_space<hbm>> -> memref<26x32xf32, #tpu.memory_space<hbm>>
          %dma_wait3A_609 = arith.constant 0 : i32
          %dma_wait3A_610 = arith.constant 0 : i32
          %dma_wait3A_611 = tpu.memref_slice %arg8[%dma_wait3A_609, %dma_wait3A_610] : memref<208x32xf32, #tpu.memory_space<vmem>> -> memref<26x32xf32, #tpu.memory_space<vmem>>
          tpu.wait_dma2 semaphore(%arg12 : memref<!tpu.dma_semaphore, #tpu.memory_space<semaphore_mem>>) src(%dma_wait3A_611 : memref<26x32xf32, #tpu.memory_space<vmem>>) dst(%dma_wait3A_608 : memref<26x32xf32, #tpu.memory_space<hbm>>)
          %dma_wait3A_612 = arith.constant 0 : i32
          %dma_wait3A_613 = arith.constant 0 : i32
          %dma_wait3A_614 = tpu.memref_slice %arg8[%dma_wait3A_612, %dma_wait3A_613] : memref<208x32xf32, #tpu.memory_space<vmem>> -> memref<26x32xf32, #tpu.memory_space<vmem>>
          %dma_wait3A_615 = arith.constant 0 : i32
          %dma_wait3A_616 = arith.constant 0 : i32
          %dma_wait3A_617 = tpu.memref_slice %arg4[%mul3A_4, %dma_wait3A_615, %dma_wait3A_616] : memref<16384x32x128xf32, #tpu.memory_space<hbm>> -> memref<1x26x32xf32, #tpu.memory_space<hbm>>
          %dma_wait3A_618 = tpu.memref_squeeze %dma_wait3A_617 : memref<1x26x32xf32, #tpu.memory_space<hbm>> -> memref<26x32xf32, #tpu.memory_space<hbm>>
          %dma_wait3A_619 = arith.constant 0 : i32
          %dma_wait3A_620 = arith.constant 0 : i32
          %dma_wait3A_621 = tpu.memref_slice %arg4[%mul3A_4, %dma_wait3A_619, %dma_wait3A_620] : memref<16384x32x128xf32, #tpu.memory_space<hbm>> -> memref<1x26x32xf32, #tpu.memory_space<hbm>>
          %dma_wait3A_622 = tpu.memref_squeeze %dma_wait3A_621 : memref<1x26x32xf32, #tpu.memory_space<hbm>> -> memref<26x32xf32, #tpu.memory_space<hbm>>
          %dma_wait3A_623 = arith.constant 0 : i32
          %dma_wait3A_624 = arith.constant 0 : i32
          %dma_wait3A_625 = tpu.memref_slice %arg8[%dma_wait3A_623, %dma_wait3A_624] : memref<208x32xf32, #tpu.memory_space<vmem>> -> memref<26x32xf32, #tpu.memory_space<vmem>>
          tpu.wait_dma2 semaphore(%arg12 : memref<!tpu.dma_semaphore, #tpu.memory_space<semaphore_mem>>) src(%dma_wait3A_625 : memref<26x32xf32, #tpu.memory_space<vmem>>) dst(%dma_wait3A_622 : memref<26x32xf32, #tpu.memory_space<hbm>>)
          %dma_wait3A_626 = arith.constant 0 : i32
          %dma_wait3A_627 = arith.constant 0 : i32
          %dma_wait3A_628 = tpu.memref_slice %arg8[%dma_wait3A_626, %dma_wait3A_627] : memref<208x32xf32, #tpu.memory_space<vmem>> -> memref<26x32xf32, #tpu.memory_space<vmem>>
          %dma_wait3A_629 = arith.constant 0 : i32
          %dma_wait3A_630 = arith.constant 0 : i32
          %dma_wait3A_631 = tpu.memref_slice %arg4[%mul3A_4, %dma_wait3A_629, %dma_wait3A_630] : memref<16384x32x128xf32, #tpu.memory_space<hbm>> -> memref<1x26x32xf32, #tpu.memory_space<hbm>>
          %dma_wait3A_632 = tpu.memref_squeeze %dma_wait3A_631 : memref<1x26x32xf32, #tpu.memory_space<hbm>> -> memref<26x32xf32, #tpu.memory_space<hbm>>
          %dma_wait3A_633 = arith.constant 0 : i32
          %dma_wait3A_634 = arith.constant 0 : i32
          %dma_wait3A_635 = tpu.memref_slice %arg4[%mul3A_4, %dma_wait3A_633, %dma_wait3A_634] : memref<16384x32x128xf32, #tpu.memory_space<hbm>> -> memref<1x26x32xf32, #tpu.memory_space<hbm>>
          %dma_wait3A_636 = tpu.memref_squeeze %dma_wait3A_635 : memref<1x26x32xf32, #tpu.memory_space<hbm>> -> memref<26x32xf32, #tpu.memory_space<hbm>>
          %dma_wait3A_637 = arith.constant 0 : i32
          %dma_wait3A_638 = arith.constant 0 : i32
          %dma_wait3A_639 = tpu.memref_slice %arg8[%dma_wait3A_637, %dma_wait3A_638] : memref<208x32xf32, #tpu.memory_space<vmem>> -> memref<26x32xf32, #tpu.memory_space<vmem>>
          tpu.wait_dma2 semaphore(%arg12 : memref<!tpu.dma_semaphore, #tpu.memory_space<semaphore_mem>>) src(%dma_wait3A_639 : memref<26x32xf32, #tpu.memory_space<vmem>>) dst(%dma_wait3A_636 : memref<26x32xf32, #tpu.memory_space<hbm>>)
          %dma_wait3A_640 = arith.constant 0 : i32
          %dma_wait3A_641 = arith.constant 0 : i32
          %dma_wait3A_642 = tpu.memref_slice %arg8[%dma_wait3A_640, %dma_wait3A_641] : memref<208x32xf32, #tpu.memory_space<vmem>> -> memref<26x32xf32, #tpu.memory_space<vmem>>
          %dma_wait3A_643 = arith.constant 0 : i32
          %dma_wait3A_644 = arith.constant 0 : i32
          %dma_wait3A_645 = tpu.memref_slice %arg4[%mul3A_4, %dma_wait3A_643, %dma_wait3A_644] : memref<16384x32x128xf32, #tpu.memory_space<hbm>> -> memref<1x26x32xf32, #tpu.memory_space<hbm>>
          %dma_wait3A_646 = tpu.memref_squeeze %dma_wait3A_645 : memref<1x26x32xf32, #tpu.memory_space<hbm>> -> memref<26x32xf32, #tpu.memory_space<hbm>>
          %dma_wait3A_647 = arith.constant 0 : i32
          %dma_wait3A_648 = arith.constant 0 : i32
          %dma_wait3A_649 = tpu.memref_slice %arg4[%mul3A_4, %dma_wait3A_647, %dma_wait3A_648] : memref<16384x32x128xf32, #tpu.memory_space<hbm>> -> memref<1x26x32xf32, #tpu.memory_space<hbm>>
          %dma_wait3A_650 = tpu.memref_squeeze %dma_wait3A_649 : memref<1x26x32xf32, #tpu.memory_space<hbm>> -> memref<26x32xf32, #tpu.memory_space<hbm>>
          %dma_wait3A_651 = arith.constant 0 : i32
          %dma_wait3A_652 = arith.constant 0 : i32
          %dma_wait3A_653 = tpu.memref_slice %arg8[%dma_wait3A_651, %dma_wait3A_652] : memref<208x32xf32, #tpu.memory_space<vmem>> -> memref<26x32xf32, #tpu.memory_space<vmem>>
          tpu.wait_dma2 semaphore(%arg12 : memref<!tpu.dma_semaphore, #tpu.memory_space<semaphore_mem>>) src(%dma_wait3A_653 : memref<26x32xf32, #tpu.memory_space<vmem>>) dst(%dma_wait3A_650 : memref<26x32xf32, #tpu.memory_space<hbm>>)
        } else {
        }
        %add3A_534 = arith.constant 1 : i32
        %add3A_535 = arith.addi %add3A_240, %add3A_534 : i32
        %mul3A_536 = arith.constant 208 : i32
        %mul3A_537 = arith.muli %add3A_535, %mul3A_536 : i32
        %add3A_538 = arith.addi %mul3A_2, %mul3A_537 : i32
        "tpu.region"() ({
          %run_scoped3A = tpu.sem_alloc : memref<!tpu.dma_semaphore, #tpu.memory_space<semaphore_mem>>
          %dma_start3A_542 = tpu.memref_slice %arg2[%add3A_538] : memref<425984xi32, #tpu.memory_space<hbm>> -> memref<208xi32, #tpu.memory_space<hbm>>
          %dma_start3A_543 = tpu.memref_slice %arg2[%add3A_538] : memref<425984xi32, #tpu.memory_space<hbm>> -> memref<208xi32, #tpu.memory_space<hbm>>
          tpu.enqueue_dma source(%dma_start3A_543 : memref<208xi32, #tpu.memory_space<hbm>>) target(%arg6 : memref<208xi32, #tpu.memory_space<vmem>>) target_semaphore(%run_scoped3A : memref<!tpu.dma_semaphore, #tpu.memory_space<semaphore_mem>>)
          %dma_wait3A_544 = tpu.memref_slice %arg2[%add3A_538] : memref<425984xi32, #tpu.memory_space<hbm>> -> memref<208xi32, #tpu.memory_space<hbm>>
          %dma_wait3A_545 = tpu.memref_slice %arg2[%add3A_538] : memref<425984xi32, #tpu.memory_space<hbm>> -> memref<208xi32, #tpu.memory_space<hbm>>
          tpu.wait_dma2 semaphore(%run_scoped3A : memref<!tpu.dma_semaphore, #tpu.memory_space<semaphore_mem>>) src(%dma_wait3A_545 : memref<208xi32, #tpu.memory_space<hbm>>) dst(%arg6 : memref<208xi32, #tpu.memory_space<vmem>>)
          tpu.yield
        }) : () -> ()
        %dma_start3A_539 = arith.constant 0 : i32
        %dma_start3A_540 = arith.constant 0 : i32
        %dma_start3A_541 = tpu.memref_slice %arg3[%dma_start3A_539, %dma_start3A_540] : memref<1000000x32xf32, #tpu.memory_space<hbm>> -> memref<1000000x32xf32, #tpu.memory_space<hbm>>
        tpu.enqueue_indirect_dma source(%dma_start3A_541 : memref<1000000x32xf32, #tpu.memory_space<hbm>>) target(%arg8 : memref<208x32xf32, #tpu.memory_space<vmem>>) offsets(%arg6 : memref<208xi32, #tpu.memory_space<vmem>>) semaphore(%arg10 : memref<!tpu.dma_semaphore, #tpu.memory_space<semaphore_mem>>)
      } else {
      }
      %mul3A_382 = arith.constant 2 : i32
      %mul3A_383 = arith.muli %mul3A_382, %scan3A_236 : i32
      %add3A_384 = arith.constant 1 : i32
      %add3A_385 = arith.addi %mul3A_383, %add3A_384 : i32
      %dma_wait3A_386 = arith.constant 0 : i32
      %dma_wait3A_387 = arith.constant 0 : i32
      %dma_wait3A_388 = tpu.memref_slice %arg3[%dma_wait3A_386, %dma_wait3A_387] : memref<1000000x32xf32, #tpu.memory_space<hbm>> -> memref<208x32xf32, #tpu.memory_space<hbm>>
      %dma_wait3A_389 = arith.constant 0 : i32
      %dma_wait3A_390 = arith.constant 0 : i32
      %dma_wait3A_391 = tpu.memref_slice %arg3[%dma_wait3A_389, %dma_wait3A_390] : memref<1000000x32xf32, #tpu.memory_space<hbm>> -> memref<208x32xf32, #tpu.memory_space<hbm>>
      tpu.wait_dma2 semaphore(%arg10 : memref<!tpu.dma_semaphore, #tpu.memory_space<semaphore_mem>>) src(%dma_wait3A_391 : memref<208x32xf32, #tpu.memory_space<hbm>>) dst(%arg8 : memref<208x32xf32, #tpu.memory_space<vmem>>)
      %mul3A_392 = arith.constant 8 : i32
      %mul3A_393 = arith.muli %add3A_385, %mul3A_392 : i32
      %add3A_394 = arith.addi %mul3A_4, %mul3A_393 : i32
      %add3A_395 = arith.constant 0 : i32
      %add3A_396 = arith.addi %add3A_394, %add3A_395 : i32
      %dma_start3A_397 = arith.constant 0 : i32
      %dma_start3A_398 = arith.constant 0 : i32
      %dma_start3A_399 = tpu.memref_slice %arg8[%dma_start3A_397, %dma_start3A_398] : memref<208x32xf32, #tpu.memory_space<vmem>> -> memref<26x32xf32, #tpu.memory_space<vmem>>
      %dma_start3A_400 = arith.constant 0 : i32
      %dma_start3A_401 = arith.constant 0 : i32
      %dma_start3A_402 = tpu.memref_slice %arg4[%add3A_396, %dma_start3A_400, %dma_start3A_401] : memref<16384x32x128xf32, #tpu.memory_space<hbm>> -> memref<1x26x32xf32, #tpu.memory_space<hbm>>
      %dma_start3A_403 = tpu.memref_squeeze %dma_start3A_402 : memref<1x26x32xf32, #tpu.memory_space<hbm>> -> memref<26x32xf32, #tpu.memory_space<hbm>>
      %dma_start3A_404 = arith.constant 0 : i32
      %dma_start3A_405 = arith.constant 0 : i32
      %dma_start3A_406 = tpu.memref_slice %arg4[%add3A_396, %dma_start3A_404, %dma_start3A_405] : memref<16384x32x128xf32, #tpu.memory_space<hbm>> -> memref<1x26x32xf32, #tpu.memory_space<hbm>>
      %dma_start3A_407 = tpu.memref_squeeze %dma_start3A_406 : memref<1x26x32xf32, #tpu.memory_space<hbm>> -> memref<26x32xf32, #tpu.memory_space<hbm>>
      %dma_start3A_408 = arith.constant 0 : i32
      %dma_start3A_409 = arith.constant 0 : i32
      %dma_start3A_410 = tpu.memref_slice %arg8[%dma_start3A_408, %dma_start3A_409] : memref<208x32xf32, #tpu.memory_space<vmem>> -> memref<26x32xf32, #tpu.memory_space<vmem>>
      tpu.enqueue_dma source(%dma_start3A_410 : memref<26x32xf32, #tpu.memory_space<vmem>>) target(%dma_start3A_407 : memref<26x32xf32, #tpu.memory_space<hbm>>) target_semaphore(%arg12 : memref<!tpu.dma_semaphore, #tpu.memory_space<semaphore_mem>>)
      %add3A_411 = arith.constant 1 : i32
      %add3A_412 = arith.addi %add3A_394, %add3A_411 : i32
      %dma_start3A_413 = arith.constant 26 : i32
      %dma_start3A_414 = arith.constant 0 : i32
      %dma_start3A_415 = tpu.memref_slice %arg8[%dma_start3A_413, %dma_start3A_414] : memref<208x32xf32, #tpu.memory_space<vmem>> -> memref<26x32xf32, #tpu.memory_space<vmem>>
      %dma_start3A_416 = arith.constant 0 : i32
      %dma_start3A_417 = arith.constant 0 : i32
      %dma_start3A_418 = tpu.memref_slice %arg4[%add3A_412, %dma_start3A_416, %dma_start3A_417] : memref<16384x32x128xf32, #tpu.memory_space<hbm>> -> memref<1x26x32xf32, #tpu.memory_space<hbm>>
      %dma_start3A_419 = tpu.memref_squeeze %dma_start3A_418 : memref<1x26x32xf32, #tpu.memory_space<hbm>> -> memref<26x32xf32, #tpu.memory_space<hbm>>
      %dma_start3A_420 = arith.constant 0 : i32
      %dma_start3A_421 = arith.constant 0 : i32
      %dma_start3A_422 = tpu.memref_slice %arg4[%add3A_412, %dma_start3A_420, %dma_start3A_421] : memref<16384x32x128xf32, #tpu.memory_space<hbm>> -> memref<1x26x32xf32, #tpu.memory_space<hbm>>
      %dma_start3A_423 = tpu.memref_squeeze %dma_start3A_422 : memref<1x26x32xf32, #tpu.memory_space<hbm>> -> memref<26x32xf32, #tpu.memory_space<hbm>>
      %dma_start3A_424 = arith.constant 26 : i32
      %dma_start3A_425 = arith.constant 0 : i32
      %dma_start3A_426 = tpu.memref_slice %arg8[%dma_start3A_424, %dma_start3A_425] : memref<208x32xf32, #tpu.memory_space<vmem>> -> memref<26x32xf32, #tpu.memory_space<vmem>>
      tpu.enqueue_dma source(%dma_start3A_426 : memref<26x32xf32, #tpu.memory_space<vmem>>) target(%dma_start3A_423 : memref<26x32xf32, #tpu.memory_space<hbm>>) target_semaphore(%arg12 : memref<!tpu.dma_semaphore, #tpu.memory_space<semaphore_mem>>)
      %add3A_427 = arith.constant 2 : i32
      %add3A_428 = arith.addi %add3A_394, %add3A_427 : i32
      %dma_start3A_429 = arith.constant 52 : i32
      %dma_start3A_430 = arith.constant 0 : i32
      %dma_start3A_431 = tpu.memref_slice %arg8[%dma_start3A_429, %dma_start3A_430] : memref<208x32xf32, #tpu.memory_space<vmem>> -> memref<26x32xf32, #tpu.memory_space<vmem>>
      %dma_start3A_432 = arith.constant 0 : i32
      %dma_start3A_433 = arith.constant 0 : i32
      %dma_start3A_434 = tpu.memref_slice %arg4[%add3A_428, %dma_start3A_432, %dma_start3A_433] : memref<16384x32x128xf32, #tpu.memory_space<hbm>> -> memref<1x26x32xf32, #tpu.memory_space<hbm>>
      %dma_start3A_435 = tpu.memref_squeeze %dma_start3A_434 : memref<1x26x32xf32, #tpu.memory_space<hbm>> -> memref<26x32xf32, #tpu.memory_space<hbm>>
      %dma_start3A_436 = arith.constant 0 : i32
      %dma_start3A_437 = arith.constant 0 : i32
      %dma_start3A_438 = tpu.memref_slice %arg4[%add3A_428, %dma_start3A_436, %dma_start3A_437] : memref<16384x32x128xf32, #tpu.memory_space<hbm>> -> memref<1x26x32xf32, #tpu.memory_space<hbm>>
      %dma_start3A_439 = tpu.memref_squeeze %dma_start3A_438 : memref<1x26x32xf32, #tpu.memory_space<hbm>> -> memref<26x32xf32, #tpu.memory_space<hbm>>
      %dma_start3A_440 = arith.constant 52 : i32
      %dma_start3A_441 = arith.constant 0 : i32
      %dma_start3A_442 = tpu.memref_slice %arg8[%dma_start3A_440, %dma_start3A_441] : memref<208x32xf32, #tpu.memory_space<vmem>> -> memref<26x32xf32, #tpu.memory_space<vmem>>
      tpu.enqueue_dma source(%dma_start3A_442 : memref<26x32xf32, #tpu.memory_space<vmem>>) target(%dma_start3A_439 : memref<26x32xf32, #tpu.memory_space<hbm>>) target_semaphore(%arg12 : memref<!tpu.dma_semaphore, #tpu.memory_space<semaphore_mem>>)
      %add3A_443 = arith.constant 3 : i32
      %add3A_444 = arith.addi %add3A_394, %add3A_443 : i32
      %dma_start3A_445 = arith.constant 78 : i32
      %dma_start3A_446 = arith.constant 0 : i32
      %dma_start3A_447 = tpu.memref_slice %arg8[%dma_start3A_445, %dma_start3A_446] : memref<208x32xf32, #tpu.memory_space<vmem>> -> memref<26x32xf32, #tpu.memory_space<vmem>>
      %dma_start3A_448 = arith.constant 0 : i32
      %dma_start3A_449 = arith.constant 0 : i32
      %dma_start3A_450 = tpu.memref_slice %arg4[%add3A_444, %dma_start3A_448, %dma_start3A_449] : memref<16384x32x128xf32, #tpu.memory_space<hbm>> -> memref<1x26x32xf32, #tpu.memory_space<hbm>>
      %dma_start3A_451 = tpu.memref_squeeze %dma_start3A_450 : memref<1x26x32xf32, #tpu.memory_space<hbm>> -> memref<26x32xf32, #tpu.memory_space<hbm>>
      %dma_start3A_452 = arith.constant 0 : i32
      %dma_start3A_453 = arith.constant 0 : i32
      %dma_start3A_454 = tpu.memref_slice %arg4[%add3A_444, %dma_start3A_452, %dma_start3A_453] : memref<16384x32x128xf32, #tpu.memory_space<hbm>> -> memref<1x26x32xf32, #tpu.memory_space<hbm>>
      %dma_start3A_455 = tpu.memref_squeeze %dma_start3A_454 : memref<1x26x32xf32, #tpu.memory_space<hbm>> -> memref<26x32xf32, #tpu.memory_space<hbm>>
      %dma_start3A_456 = arith.constant 78 : i32
      %dma_start3A_457 = arith.constant 0 : i32
      %dma_start3A_458 = tpu.memref_slice %arg8[%dma_start3A_456, %dma_start3A_457] : memref<208x32xf32, #tpu.memory_space<vmem>> -> memref<26x32xf32, #tpu.memory_space<vmem>>
      tpu.enqueue_dma source(%dma_start3A_458 : memref<26x32xf32, #tpu.memory_space<vmem>>) target(%dma_start3A_455 : memref<26x32xf32, #tpu.memory_space<hbm>>) target_semaphore(%arg12 : memref<!tpu.dma_semaphore, #tpu.memory_space<semaphore_mem>>)
      %add3A_459 = arith.constant 4 : i32
      %add3A_460 = arith.addi %add3A_394, %add3A_459 : i32
      %dma_start3A_461 = arith.constant 104 : i32
      %dma_start3A_462 = arith.constant 0 : i32
      %dma_start3A_463 = tpu.memref_slice %arg8[%dma_start3A_461, %dma_start3A_462] : memref<208x32xf32, #tpu.memory_space<vmem>> -> memref<26x32xf32, #tpu.memory_space<vmem>>
      %dma_start3A_464 = arith.constant 0 : i32
      %dma_start3A_465 = arith.constant 0 : i32
      %dma_start3A_466 = tpu.memref_slice %arg4[%add3A_460, %dma_start3A_464, %dma_start3A_465] : memref<16384x32x128xf32, #tpu.memory_space<hbm>> -> memref<1x26x32xf32, #tpu.memory_space<hbm>>
      %dma_start3A_467 = tpu.memref_squeeze %dma_start3A_466 : memref<1x26x32xf32, #tpu.memory_space<hbm>> -> memref<26x32xf32, #tpu.memory_space<hbm>>
      %dma_start3A_468 = arith.constant 0 : i32
      %dma_start3A_469 = arith.constant 0 : i32
      %dma_start3A_470 = tpu.memref_slice %arg4[%add3A_460, %dma_start3A_468, %dma_start3A_469] : memref<16384x32x128xf32, #tpu.memory_space<hbm>> -> memref<1x26x32xf32, #tpu.memory_space<hbm>>
      %dma_start3A_471 = tpu.memref_squeeze %dma_start3A_470 : memref<1x26x32xf32, #tpu.memory_space<hbm>> -> memref<26x32xf32, #tpu.memory_space<hbm>>
      %dma_start3A_472 = arith.constant 104 : i32
      %dma_start3A_473 = arith.constant 0 : i32
      %dma_start3A_474 = tpu.memref_slice %arg8[%dma_start3A_472, %dma_start3A_473] : memref<208x32xf32, #tpu.memory_space<vmem>> -> memref<26x32xf32, #tpu.memory_space<vmem>>
      tpu.enqueue_dma source(%dma_start3A_474 : memref<26x32xf32, #tpu.memory_space<vmem>>) target(%dma_start3A_471 : memref<26x32xf32, #tpu.memory_space<hbm>>) target_semaphore(%arg12 : memref<!tpu.dma_semaphore, #tpu.memory_space<semaphore_mem>>)
      %add3A_475 = arith.constant 5 : i32
      %add3A_476 = arith.addi %add3A_394, %add3A_475 : i32
      %dma_start3A_477 = arith.constant 130 : i32
      %dma_start3A_478 = arith.constant 0 : i32
      %dma_start3A_479 = tpu.memref_slice %arg8[%dma_start3A_477, %dma_start3A_478] : memref<208x32xf32, #tpu.memory_space<vmem>> -> memref<26x32xf32, #tpu.memory_space<vmem>>
      %dma_start3A_480 = arith.constant 0 : i32
      %dma_start3A_481 = arith.constant 0 : i32
      %dma_start3A_482 = tpu.memref_slice %arg4[%add3A_476, %dma_start3A_480, %dma_start3A_481] : memref<16384x32x128xf32, #tpu.memory_space<hbm>> -> memref<1x26x32xf32, #tpu.memory_space<hbm>>
      %dma_start3A_483 = tpu.memref_squeeze %dma_start3A_482 : memref<1x26x32xf32, #tpu.memory_space<hbm>> -> memref<26x32xf32, #tpu.memory_space<hbm>>
      %dma_start3A_484 = arith.constant 0 : i32
      %dma_start3A_485 = arith.constant 0 : i32
      %dma_start3A_486 = tpu.memref_slice %arg4[%add3A_476, %dma_start3A_484, %dma_start3A_485] : memref<16384x32x128xf32, #tpu.memory_space<hbm>> -> memref<1x26x32xf32, #tpu.memory_space<hbm>>
      %dma_start3A_487 = tpu.memref_squeeze %dma_start3A_486 : memref<1x26x32xf32, #tpu.memory_space<hbm>> -> memref<26x32xf32, #tpu.memory_space<hbm>>
      %dma_start3A_488 = arith.constant 130 : i32
      %dma_start3A_489 = arith.constant 0 : i32
      %dma_start3A_490 = tpu.memref_slice %arg8[%dma_start3A_488, %dma_start3A_489] : memref<208x32xf32, #tpu.memory_space<vmem>> -> memref<26x32xf32, #tpu.memory_space<vmem>>
      tpu.enqueue_dma source(%dma_start3A_490 : memref<26x32xf32, #tpu.memory_space<vmem>>) target(%dma_start3A_487 : memref<26x32xf32, #tpu.memory_space<hbm>>) target_semaphore(%arg12 : memref<!tpu.dma_semaphore, #tpu.memory_space<semaphore_mem>>)
      %add3A_491 = arith.constant 6 : i32
      %add3A_492 = arith.addi %add3A_394, %add3A_491 : i32
      %dma_start3A_493 = arith.constant 156 : i32
      %dma_start3A_494 = arith.constant 0 : i32
      %dma_start3A_495 = tpu.memref_slice %arg8[%dma_start3A_493, %dma_start3A_494] : memref<208x32xf32, #tpu.memory_space<vmem>> -> memref<26x32xf32, #tpu.memory_space<vmem>>
      %dma_start3A_496 = arith.constant 0 : i32
      %dma_start3A_497 = arith.constant 0 : i32
      %dma_start3A_498 = tpu.memref_slice %arg4[%add3A_492, %dma_start3A_496, %dma_start3A_497] : memref<16384x32x128xf32, #tpu.memory_space<hbm>> -> memref<1x26x32xf32, #tpu.memory_space<hbm>>
      %dma_start3A_499 = tpu.memref_squeeze %dma_start3A_498 : memref<1x26x32xf32, #tpu.memory_space<hbm>> -> memref<26x32xf32, #tpu.memory_space<hbm>>
      %dma_start3A_500 = arith.constant 0 : i32
      %dma_start3A_501 = arith.constant 0 : i32
      %dma_start3A_502 = tpu.memref_slice %arg4[%add3A_492, %dma_start3A_500, %dma_start3A_501] : memref<16384x32x128xf32, #tpu.memory_space<hbm>> -> memref<1x26x32xf32, #tpu.memory_space<hbm>>
      %dma_start3A_503 = tpu.memref_squeeze %dma_start3A_502 : memref<1x26x32xf32, #tpu.memory_space<hbm>> -> memref<26x32xf32, #tpu.memory_space<hbm>>
      %dma_start3A_504 = arith.constant 156 : i32
      %dma_start3A_505 = arith.constant 0 : i32
      %dma_start3A_506 = tpu.memref_slice %arg8[%dma_start3A_504, %dma_start3A_505] : memref<208x32xf32, #tpu.memory_space<vmem>> -> memref<26x32xf32, #tpu.memory_space<vmem>>
      tpu.enqueue_dma source(%dma_start3A_506 : memref<26x32xf32, #tpu.memory_space<vmem>>) target(%dma_start3A_503 : memref<26x32xf32, #tpu.memory_space<hbm>>) target_semaphore(%arg12 : memref<!tpu.dma_semaphore, #tpu.memory_space<semaphore_mem>>)
      %add3A_507 = arith.constant 7 : i32
      %add3A_508 = arith.addi %add3A_394, %add3A_507 : i32
      %dma_start3A_509 = arith.constant 182 : i32
      %dma_start3A_510 = arith.constant 0 : i32
      %dma_start3A_511 = tpu.memref_slice %arg8[%dma_start3A_509, %dma_start3A_510] : memref<208x32xf32, #tpu.memory_space<vmem>> -> memref<26x32xf32, #tpu.memory_space<vmem>>
      %dma_start3A_512 = arith.constant 0 : i32
      %dma_start3A_513 = arith.constant 0 : i32
      %dma_start3A_514 = tpu.memref_slice %arg4[%add3A_508, %dma_start3A_512, %dma_start3A_513] : memref<16384x32x128xf32, #tpu.memory_space<hbm>> -> memref<1x26x32xf32, #tpu.memory_space<hbm>>
      %dma_start3A_515 = tpu.memref_squeeze %dma_start3A_514 : memref<1x26x32xf32, #tpu.memory_space<hbm>> -> memref<26x32xf32, #tpu.memory_space<hbm>>
      %dma_start3A_516 = arith.constant 0 : i32
      %dma_start3A_517 = arith.constant 0 : i32
      %dma_start3A_518 = tpu.memref_slice %arg4[%add3A_508, %dma_start3A_516, %dma_start3A_517] : memref<16384x32x128xf32, #tpu.memory_space<hbm>> -> memref<1x26x32xf32, #tpu.memory_space<hbm>>
      %dma_start3A_519 = tpu.memref_squeeze %dma_start3A_518 : memref<1x26x32xf32, #tpu.memory_space<hbm>> -> memref<26x32xf32, #tpu.memory_space<hbm>>
      %dma_start3A_520 = arith.constant 182 : i32
      %dma_start3A_521 = arith.constant 0 : i32
      %dma_start3A_522 = tpu.memref_slice %arg8[%dma_start3A_520, %dma_start3A_521] : memref<208x32xf32, #tpu.memory_space<vmem>> -> memref<26x32xf32, #tpu.memory_space<vmem>>
      tpu.enqueue_dma source(%dma_start3A_522 : memref<26x32xf32, #tpu.memory_space<vmem>>) target(%dma_start3A_519 : memref<26x32xf32, #tpu.memory_space<hbm>>) target_semaphore(%arg12 : memref<!tpu.dma_semaphore, #tpu.memory_space<semaphore_mem>>)
      %add3A_523 = arith.constant 1 : i32
      %add3A_524 = arith.addi %add3A_385, %add3A_523 : i32
      %lt3A_525 = arith.constant 64 : i32
      %lt3A_526 = arith.cmpi slt, %add3A_524, %lt3A_525 : i32
      %convert_element_type3A_527 = arith.extui %lt3A_526 : i1 to i32
      %cond3A_528 = arith.constant 0 : i32
      %cond3A_529 = arith.cmpi ne, %convert_element_type3A_527, %cond3A_528 : i32
      scf.if %cond3A_529 {
        %ge3A = arith.constant 1 : i32
        %ge3A_530 = arith.cmpi sge, %add3A_385, %ge3A : i32
        %convert_element_type3A_531 = arith.extui %ge3A_530 : i1 to i32
        %cond3A_532 = arith.constant 0 : i32
        %cond3A_533 = arith.cmpi ne, %convert_element_type3A_531, %cond3A_532 : i32
        scf.if %cond3A_533 {
          %dma_wait3A_542 = arith.constant 0 : i32
          %dma_wait3A_543 = arith.constant 0 : i32
          %dma_wait3A_544 = tpu.memref_slice %arg7[%dma_wait3A_542, %dma_wait3A_543] : memref<208x32xf32, #tpu.memory_space<vmem>> -> memref<26x32xf32, #tpu.memory_space<vmem>>
          %dma_wait3A_545 = arith.constant 0 : i32
          %dma_wait3A_546 = arith.constant 0 : i32
          %dma_wait3A_547 = tpu.memref_slice %arg4[%mul3A_4, %dma_wait3A_545, %dma_wait3A_546] : memref<16384x32x128xf32, #tpu.memory_space<hbm>> -> memref<1x26x32xf32, #tpu.memory_space<hbm>>
          %dma_wait3A_548 = tpu.memref_squeeze %dma_wait3A_547 : memref<1x26x32xf32, #tpu.memory_space<hbm>> -> memref<26x32xf32, #tpu.memory_space<hbm>>
          %dma_wait3A_549 = arith.constant 0 : i32
          %dma_wait3A_550 = arith.constant 0 : i32
          %dma_wait3A_551 = tpu.memref_slice %arg4[%mul3A_4, %dma_wait3A_549, %dma_wait3A_550] : memref<16384x32x128xf32, #tpu.memory_space<hbm>> -> memref<1x26x32xf32, #tpu.memory_space<hbm>>
          %dma_wait3A_552 = tpu.memref_squeeze %dma_wait3A_551 : memref<1x26x32xf32, #tpu.memory_space<hbm>> -> memref<26x32xf32, #tpu.memory_space<hbm>>
          %dma_wait3A_553 = arith.constant 0 : i32
          %dma_wait3A_554 = arith.constant 0 : i32
          %dma_wait3A_555 = tpu.memref_slice %arg7[%dma_wait3A_553, %dma_wait3A_554] : memref<208x32xf32, #tpu.memory_space<vmem>> -> memref<26x32xf32, #tpu.memory_space<vmem>>
          tpu.wait_dma2 semaphore(%arg11 : memref<!tpu.dma_semaphore, #tpu.memory_space<semaphore_mem>>) src(%dma_wait3A_555 : memref<26x32xf32, #tpu.memory_space<vmem>>) dst(%dma_wait3A_552 : memref<26x32xf32, #tpu.memory_space<hbm>>)
          %dma_wait3A_556 = arith.constant 0 : i32
          %dma_wait3A_557 = arith.constant 0 : i32
          %dma_wait3A_558 = tpu.memref_slice %arg7[%dma_wait3A_556, %dma_wait3A_557] : memref<208x32xf32, #tpu.memory_space<vmem>> -> memref<26x32xf32, #tpu.memory_space<vmem>>
          %dma_wait3A_559 = arith.constant 0 : i32
          %dma_wait3A_560 = arith.constant 0 : i32
          %dma_wait3A_561 = tpu.memref_slice %arg4[%mul3A_4, %dma_wait3A_559, %dma_wait3A_560] : memref<16384x32x128xf32, #tpu.memory_space<hbm>> -> memref<1x26x32xf32, #tpu.memory_space<hbm>>
          %dma_wait3A_562 = tpu.memref_squeeze %dma_wait3A_561 : memref<1x26x32xf32, #tpu.memory_space<hbm>> -> memref<26x32xf32, #tpu.memory_space<hbm>>
          %dma_wait3A_563 = arith.constant 0 : i32
          %dma_wait3A_564 = arith.constant 0 : i32
          %dma_wait3A_565 = tpu.memref_slice %arg4[%mul3A_4, %dma_wait3A_563, %dma_wait3A_564] : memref<16384x32x128xf32, #tpu.memory_space<hbm>> -> memref<1x26x32xf32, #tpu.memory_space<hbm>>
          %dma_wait3A_566 = tpu.memref_squeeze %dma_wait3A_565 : memref<1x26x32xf32, #tpu.memory_space<hbm>> -> memref<26x32xf32, #tpu.memory_space<hbm>>
          %dma_wait3A_567 = arith.constant 0 : i32
          %dma_wait3A_568 = arith.constant 0 : i32
          %dma_wait3A_569 = tpu.memref_slice %arg7[%dma_wait3A_567, %dma_wait3A_568] : memref<208x32xf32, #tpu.memory_space<vmem>> -> memref<26x32xf32, #tpu.memory_space<vmem>>
          tpu.wait_dma2 semaphore(%arg11 : memref<!tpu.dma_semaphore, #tpu.memory_space<semaphore_mem>>) src(%dma_wait3A_569 : memref<26x32xf32, #tpu.memory_space<vmem>>) dst(%dma_wait3A_566 : memref<26x32xf32, #tpu.memory_space<hbm>>)
          %dma_wait3A_570 = arith.constant 0 : i32
          %dma_wait3A_571 = arith.constant 0 : i32
          %dma_wait3A_572 = tpu.memref_slice %arg7[%dma_wait3A_570, %dma_wait3A_571] : memref<208x32xf32, #tpu.memory_space<vmem>> -> memref<26x32xf32, #tpu.memory_space<vmem>>
          %dma_wait3A_573 = arith.constant 0 : i32
          %dma_wait3A_574 = arith.constant 0 : i32
          %dma_wait3A_575 = tpu.memref_slice %arg4[%mul3A_4, %dma_wait3A_573, %dma_wait3A_574] : memref<16384x32x128xf32, #tpu.memory_space<hbm>> -> memref<1x26x32xf32, #tpu.memory_space<hbm>>
          %dma_wait3A_576 = tpu.memref_squeeze %dma_wait3A_575 : memref<1x26x32xf32, #tpu.memory_space<hbm>> -> memref<26x32xf32, #tpu.memory_space<hbm>>
          %dma_wait3A_577 = arith.constant 0 : i32
          %dma_wait3A_578 = arith.constant 0 : i32
          %dma_wait3A_579 = tpu.memref_slice %arg4[%mul3A_4, %dma_wait3A_577, %dma_wait3A_578] : memref<16384x32x128xf32, #tpu.memory_space<hbm>> -> memref<1x26x32xf32, #tpu.memory_space<hbm>>
          %dma_wait3A_580 = tpu.memref_squeeze %dma_wait3A_579 : memref<1x26x32xf32, #tpu.memory_space<hbm>> -> memref<26x32xf32, #tpu.memory_space<hbm>>
          %dma_wait3A_581 = arith.constant 0 : i32
          %dma_wait3A_582 = arith.constant 0 : i32
          %dma_wait3A_583 = tpu.memref_slice %arg7[%dma_wait3A_581, %dma_wait3A_582] : memref<208x32xf32, #tpu.memory_space<vmem>> -> memref<26x32xf32, #tpu.memory_space<vmem>>
          tpu.wait_dma2 semaphore(%arg11 : memref<!tpu.dma_semaphore, #tpu.memory_space<semaphore_mem>>) src(%dma_wait3A_583 : memref<26x32xf32, #tpu.memory_space<vmem>>) dst(%dma_wait3A_580 : memref<26x32xf32, #tpu.memory_space<hbm>>)
          %dma_wait3A_584 = arith.constant 0 : i32
          %dma_wait3A_585 = arith.constant 0 : i32
          %dma_wait3A_586 = tpu.memref_slice %arg7[%dma_wait3A_584, %dma_wait3A_585] : memref<208x32xf32, #tpu.memory_space<vmem>> -> memref<26x32xf32, #tpu.memory_space<vmem>>
          %dma_wait3A_587 = arith.constant 0 : i32
          %dma_wait3A_588 = arith.constant 0 : i32
          %dma_wait3A_589 = tpu.memref_slice %arg4[%mul3A_4, %dma_wait3A_587, %dma_wait3A_588] : memref<16384x32x128xf32, #tpu.memory_space<hbm>> -> memref<1x26x32xf32, #tpu.memory_space<hbm>>
          %dma_wait3A_590 = tpu.memref_squeeze %dma_wait3A_589 : memref<1x26x32xf32, #tpu.memory_space<hbm>> -> memref<26x32xf32, #tpu.memory_space<hbm>>
          %dma_wait3A_591 = arith.constant 0 : i32
          %dma_wait3A_592 = arith.constant 0 : i32
          %dma_wait3A_593 = tpu.memref_slice %arg4[%mul3A_4, %dma_wait3A_591, %dma_wait3A_592] : memref<16384x32x128xf32, #tpu.memory_space<hbm>> -> memref<1x26x32xf32, #tpu.memory_space<hbm>>
          %dma_wait3A_594 = tpu.memref_squeeze %dma_wait3A_593 : memref<1x26x32xf32, #tpu.memory_space<hbm>> -> memref<26x32xf32, #tpu.memory_space<hbm>>
          %dma_wait3A_595 = arith.constant 0 : i32
          %dma_wait3A_596 = arith.constant 0 : i32
          %dma_wait3A_597 = tpu.memref_slice %arg7[%dma_wait3A_595, %dma_wait3A_596] : memref<208x32xf32, #tpu.memory_space<vmem>> -> memref<26x32xf32, #tpu.memory_space<vmem>>
          tpu.wait_dma2 semaphore(%arg11 : memref<!tpu.dma_semaphore, #tpu.memory_space<semaphore_mem>>) src(%dma_wait3A_597 : memref<26x32xf32, #tpu.memory_space<vmem>>) dst(%dma_wait3A_594 : memref<26x32xf32, #tpu.memory_space<hbm>>)
          %dma_wait3A_598 = arith.constant 0 : i32
          %dma_wait3A_599 = arith.constant 0 : i32
          %dma_wait3A_600 = tpu.memref_slice %arg7[%dma_wait3A_598, %dma_wait3A_599] : memref<208x32xf32, #tpu.memory_space<vmem>> -> memref<26x32xf32, #tpu.memory_space<vmem>>
          %dma_wait3A_601 = arith.constant 0 : i32
          %dma_wait3A_602 = arith.constant 0 : i32
          %dma_wait3A_603 = tpu.memref_slice %arg4[%mul3A_4, %dma_wait3A_601, %dma_wait3A_602] : memref<16384x32x128xf32, #tpu.memory_space<hbm>> -> memref<1x26x32xf32, #tpu.memory_space<hbm>>
          %dma_wait3A_604 = tpu.memref_squeeze %dma_wait3A_603 : memref<1x26x32xf32, #tpu.memory_space<hbm>> -> memref<26x32xf32, #tpu.memory_space<hbm>>
          %dma_wait3A_605 = arith.constant 0 : i32
          %dma_wait3A_606 = arith.constant 0 : i32
          %dma_wait3A_607 = tpu.memref_slice %arg4[%mul3A_4, %dma_wait3A_605, %dma_wait3A_606] : memref<16384x32x128xf32, #tpu.memory_space<hbm>> -> memref<1x26x32xf32, #tpu.memory_space<hbm>>
          %dma_wait3A_608 = tpu.memref_squeeze %dma_wait3A_607 : memref<1x26x32xf32, #tpu.memory_space<hbm>> -> memref<26x32xf32, #tpu.memory_space<hbm>>
          %dma_wait3A_609 = arith.constant 0 : i32
          %dma_wait3A_610 = arith.constant 0 : i32
          %dma_wait3A_611 = tpu.memref_slice %arg7[%dma_wait3A_609, %dma_wait3A_610] : memref<208x32xf32, #tpu.memory_space<vmem>> -> memref<26x32xf32, #tpu.memory_space<vmem>>
          tpu.wait_dma2 semaphore(%arg11 : memref<!tpu.dma_semaphore, #tpu.memory_space<semaphore_mem>>) src(%dma_wait3A_611 : memref<26x32xf32, #tpu.memory_space<vmem>>) dst(%dma_wait3A_608 : memref<26x32xf32, #tpu.memory_space<hbm>>)
          %dma_wait3A_612 = arith.constant 0 : i32
          %dma_wait3A_613 = arith.constant 0 : i32
          %dma_wait3A_614 = tpu.memref_slice %arg7[%dma_wait3A_612, %dma_wait3A_613] : memref<208x32xf32, #tpu.memory_space<vmem>> -> memref<26x32xf32, #tpu.memory_space<vmem>>
          %dma_wait3A_615 = arith.constant 0 : i32
          %dma_wait3A_616 = arith.constant 0 : i32
          %dma_wait3A_617 = tpu.memref_slice %arg4[%mul3A_4, %dma_wait3A_615, %dma_wait3A_616] : memref<16384x32x128xf32, #tpu.memory_space<hbm>> -> memref<1x26x32xf32, #tpu.memory_space<hbm>>
          %dma_wait3A_618 = tpu.memref_squeeze %dma_wait3A_617 : memref<1x26x32xf32, #tpu.memory_space<hbm>> -> memref<26x32xf32, #tpu.memory_space<hbm>>
          %dma_wait3A_619 = arith.constant 0 : i32
          %dma_wait3A_620 = arith.constant 0 : i32
          %dma_wait3A_621 = tpu.memref_slice %arg4[%mul3A_4, %dma_wait3A_619, %dma_wait3A_620] : memref<16384x32x128xf32, #tpu.memory_space<hbm>> -> memref<1x26x32xf32, #tpu.memory_space<hbm>>
          %dma_wait3A_622 = tpu.memref_squeeze %dma_wait3A_621 : memref<1x26x32xf32, #tpu.memory_space<hbm>> -> memref<26x32xf32, #tpu.memory_space<hbm>>
          %dma_wait3A_623 = arith.constant 0 : i32
          %dma_wait3A_624 = arith.constant 0 : i32
          %dma_wait3A_625 = tpu.memref_slice %arg7[%dma_wait3A_623, %dma_wait3A_624] : memref<208x32xf32, #tpu.memory_space<vmem>> -> memref<26x32xf32, #tpu.memory_space<vmem>>
          tpu.wait_dma2 semaphore(%arg11 : memref<!tpu.dma_semaphore, #tpu.memory_space<semaphore_mem>>) src(%dma_wait3A_625 : memref<26x32xf32, #tpu.memory_space<vmem>>) dst(%dma_wait3A_622 : memref<26x32xf32, #tpu.memory_space<hbm>>)
          %dma_wait3A_626 = arith.constant 0 : i32
          %dma_wait3A_627 = arith.constant 0 : i32
          %dma_wait3A_628 = tpu.memref_slice %arg7[%dma_wait3A_626, %dma_wait3A_627] : memref<208x32xf32, #tpu.memory_space<vmem>> -> memref<26x32xf32, #tpu.memory_space<vmem>>
          %dma_wait3A_629 = arith.constant 0 : i32
          %dma_wait3A_630 = arith.constant 0 : i32
          %dma_wait3A_631 = tpu.memref_slice %arg4[%mul3A_4, %dma_wait3A_629, %dma_wait3A_630] : memref<16384x32x128xf32, #tpu.memory_space<hbm>> -> memref<1x26x32xf32, #tpu.memory_space<hbm>>
          %dma_wait3A_632 = tpu.memref_squeeze %dma_wait3A_631 : memref<1x26x32xf32, #tpu.memory_space<hbm>> -> memref<26x32xf32, #tpu.memory_space<hbm>>
          %dma_wait3A_633 = arith.constant 0 : i32
          %dma_wait3A_634 = arith.constant 0 : i32
          %dma_wait3A_635 = tpu.memref_slice %arg4[%mul3A_4, %dma_wait3A_633, %dma_wait3A_634] : memref<16384x32x128xf32, #tpu.memory_space<hbm>> -> memref<1x26x32xf32, #tpu.memory_space<hbm>>
          %dma_wait3A_636 = tpu.memref_squeeze %dma_wait3A_635 : memref<1x26x32xf32, #tpu.memory_space<hbm>> -> memref<26x32xf32, #tpu.memory_space<hbm>>
          %dma_wait3A_637 = arith.constant 0 : i32
          %dma_wait3A_638 = arith.constant 0 : i32
          %dma_wait3A_639 = tpu.memref_slice %arg7[%dma_wait3A_637, %dma_wait3A_638] : memref<208x32xf32, #tpu.memory_space<vmem>> -> memref<26x32xf32, #tpu.memory_space<vmem>>
          tpu.wait_dma2 semaphore(%arg11 : memref<!tpu.dma_semaphore, #tpu.memory_space<semaphore_mem>>) src(%dma_wait3A_639 : memref<26x32xf32, #tpu.memory_space<vmem>>) dst(%dma_wait3A_636 : memref<26x32xf32, #tpu.memory_space<hbm>>)
          %dma_wait3A_640 = arith.constant 0 : i32
          %dma_wait3A_641 = arith.constant 0 : i32
          %dma_wait3A_642 = tpu.memref_slice %arg7[%dma_wait3A_640, %dma_wait3A_641] : memref<208x32xf32, #tpu.memory_space<vmem>> -> memref<26x32xf32, #tpu.memory_space<vmem>>
          %dma_wait3A_643 = arith.constant 0 : i32
          %dma_wait3A_644 = arith.constant 0 : i32
          %dma_wait3A_645 = tpu.memref_slice %arg4[%mul3A_4, %dma_wait3A_643, %dma_wait3A_644] : memref<16384x32x128xf32, #tpu.memory_space<hbm>> -> memref<1x26x32xf32, #tpu.memory_space<hbm>>
          %dma_wait3A_646 = tpu.memref_squeeze %dma_wait3A_645 : memref<1x26x32xf32, #tpu.memory_space<hbm>> -> memref<26x32xf32, #tpu.memory_space<hbm>>
          %dma_wait3A_647 = arith.constant 0 : i32
          %dma_wait3A_648 = arith.constant 0 : i32
          %dma_wait3A_649 = tpu.memref_slice %arg4[%mul3A_4, %dma_wait3A_647, %dma_wait3A_648] : memref<16384x32x128xf32, #tpu.memory_space<hbm>> -> memref<1x26x32xf32, #tpu.memory_space<hbm>>
          %dma_wait3A_650 = tpu.memref_squeeze %dma_wait3A_649 : memref<1x26x32xf32, #tpu.memory_space<hbm>> -> memref<26x32xf32, #tpu.memory_space<hbm>>
          %dma_wait3A_651 = arith.constant 0 : i32
          %dma_wait3A_652 = arith.constant 0 : i32
          %dma_wait3A_653 = tpu.memref_slice %arg7[%dma_wait3A_651, %dma_wait3A_652] : memref<208x32xf32, #tpu.memory_space<vmem>> -> memref<26x32xf32, #tpu.memory_space<vmem>>
          tpu.wait_dma2 semaphore(%arg11 : memref<!tpu.dma_semaphore, #tpu.memory_space<semaphore_mem>>) src(%dma_wait3A_653 : memref<26x32xf32, #tpu.memory_space<vmem>>) dst(%dma_wait3A_650 : memref<26x32xf32, #tpu.memory_space<hbm>>)
        } else {
        }
        %add3A_534 = arith.constant 1 : i32
        %add3A_535 = arith.addi %add3A_385, %add3A_534 : i32
        %mul3A_536 = arith.constant 208 : i32
        %mul3A_537 = arith.muli %add3A_535, %mul3A_536 : i32
        %add3A_538 = arith.addi %mul3A_2, %mul3A_537 : i32
        "tpu.region"() ({
          %run_scoped3A = tpu.sem_alloc : memref<!tpu.dma_semaphore, #tpu.memory_space<semaphore_mem>>
          %dma_start3A_542 = tpu.memref_slice %arg2[%add3A_538] : memref<425984xi32, #tpu.memory_space<hbm>> -> memref<208xi32, #tpu.memory_space<hbm>>
          %dma_start3A_543 = tpu.memref_slice %arg2[%add3A_538] : memref<425984xi32, #tpu.memory_space<hbm>> -> memref<208xi32, #tpu.memory_space<hbm>>
          tpu.enqueue_dma source(%dma_start3A_543 : memref<208xi32, #tpu.memory_space<hbm>>) target(%arg5 : memref<208xi32, #tpu.memory_space<vmem>>) target_semaphore(%run_scoped3A : memref<!tpu.dma_semaphore, #tpu.memory_space<semaphore_mem>>)
          %dma_wait3A_544 = tpu.memref_slice %arg2[%add3A_538] : memref<425984xi32, #tpu.memory_space<hbm>> -> memref<208xi32, #tpu.memory_space<hbm>>
          %dma_wait3A_545 = tpu.memref_slice %arg2[%add3A_538] : memref<425984xi32, #tpu.memory_space<hbm>> -> memref<208xi32, #tpu.memory_space<hbm>>
          tpu.wait_dma2 semaphore(%run_scoped3A : memref<!tpu.dma_semaphore, #tpu.memory_space<semaphore_mem>>) src(%dma_wait3A_545 : memref<208xi32, #tpu.memory_space<hbm>>) dst(%arg5 : memref<208xi32, #tpu.memory_space<vmem>>)
          tpu.yield
        }) : () -> ()
        %dma_start3A_539 = arith.constant 0 : i32
        %dma_start3A_540 = arith.constant 0 : i32
        %dma_start3A_541 = tpu.memref_slice %arg3[%dma_start3A_539, %dma_start3A_540] : memref<1000000x32xf32, #tpu.memory_space<hbm>> -> memref<1000000x32xf32, #tpu.memory_space<hbm>>
        tpu.enqueue_indirect_dma source(%dma_start3A_541 : memref<1000000x32xf32, #tpu.memory_space<hbm>>) target(%arg7 : memref<208x32xf32, #tpu.memory_space<vmem>>) offsets(%arg5 : memref<208xi32, #tpu.memory_space<vmem>>) semaphore(%arg9 : memref<!tpu.dma_semaphore, #tpu.memory_space<semaphore_mem>>)
      } else {
      }
    }
    %scan3A_12 = arith.constant 32 : i32
    %dma_wait3A = arith.constant 0 : i32
    %dma_wait3A_13 = arith.constant 0 : i32
    %dma_wait3A_14 = tpu.memref_slice %arg7[%dma_wait3A, %dma_wait3A_13] : memref<208x32xf32, #tpu.memory_space<vmem>> -> memref<26x32xf32, #tpu.memory_space<vmem>>
    %dma_wait3A_15 = arith.constant 0 : i32
    %dma_wait3A_16 = arith.constant 0 : i32
    %dma_wait3A_17 = tpu.memref_slice %arg4[%mul3A_4, %dma_wait3A_15, %dma_wait3A_16] : memref<16384x32x128xf32, #tpu.memory_space<hbm>> -> memref<1x26x32xf32, #tpu.memory_space<hbm>>
    %dma_wait3A_18 = tpu.memref_squeeze %dma_wait3A_17 : memref<1x26x32xf32, #tpu.memory_space<hbm>> -> memref<26x32xf32, #tpu.memory_space<hbm>>
    %dma_wait3A_19 = arith.constant 0 : i32
    %dma_wait3A_20 = arith.constant 0 : i32
    %dma_wait3A_21 = tpu.memref_slice %arg4[%mul3A_4, %dma_wait3A_19, %dma_wait3A_20] : memref<16384x32x128xf32, #tpu.memory_space<hbm>> -> memref<1x26x32xf32, #tpu.memory_space<hbm>>
    %dma_wait3A_22 = tpu.memref_squeeze %dma_wait3A_21 : memref<1x26x32xf32, #tpu.memory_space<hbm>> -> memref<26x32xf32, #tpu.memory_space<hbm>>
    %dma_wait3A_23 = arith.constant 0 : i32
    %dma_wait3A_24 = arith.constant 0 : i32
    %dma_wait3A_25 = tpu.memref_slice %arg7[%dma_wait3A_23, %dma_wait3A_24] : memref<208x32xf32, #tpu.memory_space<vmem>> -> memref<26x32xf32, #tpu.memory_space<vmem>>
    tpu.wait_dma2 semaphore(%arg11 : memref<!tpu.dma_semaphore, #tpu.memory_space<semaphore_mem>>) src(%dma_wait3A_25 : memref<26x32xf32, #tpu.memory_space<vmem>>) dst(%dma_wait3A_22 : memref<26x32xf32, #tpu.memory_space<hbm>>)
    %dma_wait3A_26 = arith.constant 0 : i32
    %dma_wait3A_27 = arith.constant 0 : i32
    %dma_wait3A_28 = tpu.memref_slice %arg7[%dma_wait3A_26, %dma_wait3A_27] : memref<208x32xf32, #tpu.memory_space<vmem>> -> memref<26x32xf32, #tpu.memory_space<vmem>>
    %dma_wait3A_29 = arith.constant 0 : i32
    %dma_wait3A_30 = arith.constant 0 : i32
    %dma_wait3A_31 = tpu.memref_slice %arg4[%mul3A_4, %dma_wait3A_29, %dma_wait3A_30] : memref<16384x32x128xf32, #tpu.memory_space<hbm>> -> memref<1x26x32xf32, #tpu.memory_space<hbm>>
    %dma_wait3A_32 = tpu.memref_squeeze %dma_wait3A_31 : memref<1x26x32xf32, #tpu.memory_space<hbm>> -> memref<26x32xf32, #tpu.memory_space<hbm>>
    %dma_wait3A_33 = arith.constant 0 : i32
    %dma_wait3A_34 = arith.constant 0 : i32
    %dma_wait3A_35 = tpu.memref_slice %arg4[%mul3A_4, %dma_wait3A_33, %dma_wait3A_34] : memref<16384x32x128xf32, #tpu.memory_space<hbm>> -> memref<1x26x32xf32, #tpu.memory_space<hbm>>
    %dma_wait3A_36 = tpu.memref_squeeze %dma_wait3A_35 : memref<1x26x32xf32, #tpu.memory_space<hbm>> -> memref<26x32xf32, #tpu.memory_space<hbm>>
    %dma_wait3A_37 = arith.constant 0 : i32
    %dma_wait3A_38 = arith.constant 0 : i32
    %dma_wait3A_39 = tpu.memref_slice %arg7[%dma_wait3A_37, %dma_wait3A_38] : memref<208x32xf32, #tpu.memory_space<vmem>> -> memref<26x32xf32, #tpu.memory_space<vmem>>
    tpu.wait_dma2 semaphore(%arg11 : memref<!tpu.dma_semaphore, #tpu.memory_space<semaphore_mem>>) src(%dma_wait3A_39 : memref<26x32xf32, #tpu.memory_space<vmem>>) dst(%dma_wait3A_36 : memref<26x32xf32, #tpu.memory_space<hbm>>)
    %dma_wait3A_40 = arith.constant 0 : i32
    %dma_wait3A_41 = arith.constant 0 : i32
    %dma_wait3A_42 = tpu.memref_slice %arg7[%dma_wait3A_40, %dma_wait3A_41] : memref<208x32xf32, #tpu.memory_space<vmem>> -> memref<26x32xf32, #tpu.memory_space<vmem>>
    %dma_wait3A_43 = arith.constant 0 : i32
    %dma_wait3A_44 = arith.constant 0 : i32
    %dma_wait3A_45 = tpu.memref_slice %arg4[%mul3A_4, %dma_wait3A_43, %dma_wait3A_44] : memref<16384x32x128xf32, #tpu.memory_space<hbm>> -> memref<1x26x32xf32, #tpu.memory_space<hbm>>
    %dma_wait3A_46 = tpu.memref_squeeze %dma_wait3A_45 : memref<1x26x32xf32, #tpu.memory_space<hbm>> -> memref<26x32xf32, #tpu.memory_space<hbm>>
    %dma_wait3A_47 = arith.constant 0 : i32
    %dma_wait3A_48 = arith.constant 0 : i32
    %dma_wait3A_49 = tpu.memref_slice %arg4[%mul3A_4, %dma_wait3A_47, %dma_wait3A_48] : memref<16384x32x128xf32, #tpu.memory_space<hbm>> -> memref<1x26x32xf32, #tpu.memory_space<hbm>>
    %dma_wait3A_50 = tpu.memref_squeeze %dma_wait3A_49 : memref<1x26x32xf32, #tpu.memory_space<hbm>> -> memref<26x32xf32, #tpu.memory_space<hbm>>
    %dma_wait3A_51 = arith.constant 0 : i32
    %dma_wait3A_52 = arith.constant 0 : i32
    %dma_wait3A_53 = tpu.memref_slice %arg7[%dma_wait3A_51, %dma_wait3A_52] : memref<208x32xf32, #tpu.memory_space<vmem>> -> memref<26x32xf32, #tpu.memory_space<vmem>>
    tpu.wait_dma2 semaphore(%arg11 : memref<!tpu.dma_semaphore, #tpu.memory_space<semaphore_mem>>) src(%dma_wait3A_53 : memref<26x32xf32, #tpu.memory_space<vmem>>) dst(%dma_wait3A_50 : memref<26x32xf32, #tpu.memory_space<hbm>>)
    %dma_wait3A_54 = arith.constant 0 : i32
    %dma_wait3A_55 = arith.constant 0 : i32
    %dma_wait3A_56 = tpu.memref_slice %arg7[%dma_wait3A_54, %dma_wait3A_55] : memref<208x32xf32, #tpu.memory_space<vmem>> -> memref<26x32xf32, #tpu.memory_space<vmem>>
    %dma_wait3A_57 = arith.constant 0 : i32
    %dma_wait3A_58 = arith.constant 0 : i32
    %dma_wait3A_59 = tpu.memref_slice %arg4[%mul3A_4, %dma_wait3A_57, %dma_wait3A_58] : memref<16384x32x128xf32, #tpu.memory_space<hbm>> -> memref<1x26x32xf32, #tpu.memory_space<hbm>>
    %dma_wait3A_60 = tpu.memref_squeeze %dma_wait3A_59 : memref<1x26x32xf32, #tpu.memory_space<hbm>> -> memref<26x32xf32, #tpu.memory_space<hbm>>
    %dma_wait3A_61 = arith.constant 0 : i32
    %dma_wait3A_62 = arith.constant 0 : i32
    %dma_wait3A_63 = tpu.memref_slice %arg4[%mul3A_4, %dma_wait3A_61, %dma_wait3A_62] : memref<16384x32x128xf32, #tpu.memory_space<hbm>> -> memref<1x26x32xf32, #tpu.memory_space<hbm>>
    %dma_wait3A_64 = tpu.memref_squeeze %dma_wait3A_63 : memref<1x26x32xf32, #tpu.memory_space<hbm>> -> memref<26x32xf32, #tpu.memory_space<hbm>>
    %dma_wait3A_65 = arith.constant 0 : i32
    %dma_wait3A_66 = arith.constant 0 : i32
    %dma_wait3A_67 = tpu.memref_slice %arg7[%dma_wait3A_65, %dma_wait3A_66] : memref<208x32xf32, #tpu.memory_space<vmem>> -> memref<26x32xf32, #tpu.memory_space<vmem>>
    tpu.wait_dma2 semaphore(%arg11 : memref<!tpu.dma_semaphore, #tpu.memory_space<semaphore_mem>>) src(%dma_wait3A_67 : memref<26x32xf32, #tpu.memory_space<vmem>>) dst(%dma_wait3A_64 : memref<26x32xf32, #tpu.memory_space<hbm>>)
    %dma_wait3A_68 = arith.constant 0 : i32
    %dma_wait3A_69 = arith.constant 0 : i32
    %dma_wait3A_70 = tpu.memref_slice %arg7[%dma_wait3A_68, %dma_wait3A_69] : memref<208x32xf32, #tpu.memory_space<vmem>> -> memref<26x32xf32, #tpu.memory_space<vmem>>
    %dma_wait3A_71 = arith.constant 0 : i32
    %dma_wait3A_72 = arith.constant 0 : i32
    %dma_wait3A_73 = tpu.memref_slice %arg4[%mul3A_4, %dma_wait3A_71, %dma_wait3A_72] : memref<16384x32x128xf32, #tpu.memory_space<hbm>> -> memref<1x26x32xf32, #tpu.memory_space<hbm>>
    %dma_wait3A_74 = tpu.memref_squeeze %dma_wait3A_73 : memref<1x26x32xf32, #tpu.memory_space<hbm>> -> memref<26x32xf32, #tpu.memory_space<hbm>>
    %dma_wait3A_75 = arith.constant 0 : i32
    %dma_wait3A_76 = arith.constant 0 : i32
    %dma_wait3A_77 = tpu.memref_slice %arg4[%mul3A_4, %dma_wait3A_75, %dma_wait3A_76] : memref<16384x32x128xf32, #tpu.memory_space<hbm>> -> memref<1x26x32xf32, #tpu.memory_space<hbm>>
    %dma_wait3A_78 = tpu.memref_squeeze %dma_wait3A_77 : memref<1x26x32xf32, #tpu.memory_space<hbm>> -> memref<26x32xf32, #tpu.memory_space<hbm>>
    %dma_wait3A_79 = arith.constant 0 : i32
    %dma_wait3A_80 = arith.constant 0 : i32
    %dma_wait3A_81 = tpu.memref_slice %arg7[%dma_wait3A_79, %dma_wait3A_80] : memref<208x32xf32, #tpu.memory_space<vmem>> -> memref<26x32xf32, #tpu.memory_space<vmem>>
    tpu.wait_dma2 semaphore(%arg11 : memref<!tpu.dma_semaphore, #tpu.memory_space<semaphore_mem>>) src(%dma_wait3A_81 : memref<26x32xf32, #tpu.memory_space<vmem>>) dst(%dma_wait3A_78 : memref<26x32xf32, #tpu.memory_space<hbm>>)
    %dma_wait3A_82 = arith.constant 0 : i32
    %dma_wait3A_83 = arith.constant 0 : i32
    %dma_wait3A_84 = tpu.memref_slice %arg7[%dma_wait3A_82, %dma_wait3A_83] : memref<208x32xf32, #tpu.memory_space<vmem>> -> memref<26x32xf32, #tpu.memory_space<vmem>>
    %dma_wait3A_85 = arith.constant 0 : i32
    %dma_wait3A_86 = arith.constant 0 : i32
    %dma_wait3A_87 = tpu.memref_slice %arg4[%mul3A_4, %dma_wait3A_85, %dma_wait3A_86] : memref<16384x32x128xf32, #tpu.memory_space<hbm>> -> memref<1x26x32xf32, #tpu.memory_space<hbm>>
    %dma_wait3A_88 = tpu.memref_squeeze %dma_wait3A_87 : memref<1x26x32xf32, #tpu.memory_space<hbm>> -> memref<26x32xf32, #tpu.memory_space<hbm>>
    %dma_wait3A_89 = arith.constant 0 : i32
    %dma_wait3A_90 = arith.constant 0 : i32
    %dma_wait3A_91 = tpu.memref_slice %arg4[%mul3A_4, %dma_wait3A_89, %dma_wait3A_90] : memref<16384x32x128xf32, #tpu.memory_space<hbm>> -> memref<1x26x32xf32, #tpu.memory_space<hbm>>
    %dma_wait3A_92 = tpu.memref_squeeze %dma_wait3A_91 : memref<1x26x32xf32, #tpu.memory_space<hbm>> -> memref<26x32xf32, #tpu.memory_space<hbm>>
    %dma_wait3A_93 = arith.constant 0 : i32
    %dma_wait3A_94 = arith.constant 0 : i32
    %dma_wait3A_95 = tpu.memref_slice %arg7[%dma_wait3A_93, %dma_wait3A_94] : memref<208x32xf32, #tpu.memory_space<vmem>> -> memref<26x32xf32, #tpu.memory_space<vmem>>
    tpu.wait_dma2 semaphore(%arg11 : memref<!tpu.dma_semaphore, #tpu.memory_space<semaphore_mem>>) src(%dma_wait3A_95 : memref<26x32xf32, #tpu.memory_space<vmem>>) dst(%dma_wait3A_92 : memref<26x32xf32, #tpu.memory_space<hbm>>)
    %dma_wait3A_96 = arith.constant 0 : i32
    %dma_wait3A_97 = arith.constant 0 : i32
    %dma_wait3A_98 = tpu.memref_slice %arg7[%dma_wait3A_96, %dma_wait3A_97] : memref<208x32xf32, #tpu.memory_space<vmem>> -> memref<26x32xf32, #tpu.memory_space<vmem>>
    %dma_wait3A_99 = arith.constant 0 : i32
    %dma_wait3A_100 = arith.constant 0 : i32
    %dma_wait3A_101 = tpu.memref_slice %arg4[%mul3A_4, %dma_wait3A_99, %dma_wait3A_100] : memref<16384x32x128xf32, #tpu.memory_space<hbm>> -> memref<1x26x32xf32, #tpu.memory_space<hbm>>
    %dma_wait3A_102 = tpu.memref_squeeze %dma_wait3A_101 : memref<1x26x32xf32, #tpu.memory_space<hbm>> -> memref<26x32xf32, #tpu.memory_space<hbm>>
    %dma_wait3A_103 = arith.constant 0 : i32
    %dma_wait3A_104 = arith.constant 0 : i32
    %dma_wait3A_105 = tpu.memref_slice %arg4[%mul3A_4, %dma_wait3A_103, %dma_wait3A_104] : memref<16384x32x128xf32, #tpu.memory_space<hbm>> -> memref<1x26x32xf32, #tpu.memory_space<hbm>>
    %dma_wait3A_106 = tpu.memref_squeeze %dma_wait3A_105 : memref<1x26x32xf32, #tpu.memory_space<hbm>> -> memref<26x32xf32, #tpu.memory_space<hbm>>
    %dma_wait3A_107 = arith.constant 0 : i32
    %dma_wait3A_108 = arith.constant 0 : i32
    %dma_wait3A_109 = tpu.memref_slice %arg7[%dma_wait3A_107, %dma_wait3A_108] : memref<208x32xf32, #tpu.memory_space<vmem>> -> memref<26x32xf32, #tpu.memory_space<vmem>>
    tpu.wait_dma2 semaphore(%arg11 : memref<!tpu.dma_semaphore, #tpu.memory_space<semaphore_mem>>) src(%dma_wait3A_109 : memref<26x32xf32, #tpu.memory_space<vmem>>) dst(%dma_wait3A_106 : memref<26x32xf32, #tpu.memory_space<hbm>>)
    %dma_wait3A_110 = arith.constant 0 : i32
    %dma_wait3A_111 = arith.constant 0 : i32
    %dma_wait3A_112 = tpu.memref_slice %arg7[%dma_wait3A_110, %dma_wait3A_111] : memref<208x32xf32, #tpu.memory_space<vmem>> -> memref<26x32xf32, #tpu.memory_space<vmem>>
    %dma_wait3A_113 = arith.constant 0 : i32
    %dma_wait3A_114 = arith.constant 0 : i32
    %dma_wait3A_115 = tpu.memref_slice %arg4[%mul3A_4, %dma_wait3A_113, %dma_wait3A_114] : memref<16384x32x128xf32, #tpu.memory_space<hbm>> -> memref<1x26x32xf32, #tpu.memory_space<hbm>>
    %dma_wait3A_116 = tpu.memref_squeeze %dma_wait3A_115 : memref<1x26x32xf32, #tpu.memory_space<hbm>> -> memref<26x32xf32, #tpu.memory_space<hbm>>
    %dma_wait3A_117 = arith.constant 0 : i32
    %dma_wait3A_118 = arith.constant 0 : i32
    %dma_wait3A_119 = tpu.memref_slice %arg4[%mul3A_4, %dma_wait3A_117, %dma_wait3A_118] : memref<16384x32x128xf32, #tpu.memory_space<hbm>> -> memref<1x26x32xf32, #tpu.memory_space<hbm>>
    %dma_wait3A_120 = tpu.memref_squeeze %dma_wait3A_119 : memref<1x26x32xf32, #tpu.memory_space<hbm>> -> memref<26x32xf32, #tpu.memory_space<hbm>>
    %dma_wait3A_121 = arith.constant 0 : i32
    %dma_wait3A_122 = arith.constant 0 : i32
    %dma_wait3A_123 = tpu.memref_slice %arg7[%dma_wait3A_121, %dma_wait3A_122] : memref<208x32xf32, #tpu.memory_space<vmem>> -> memref<26x32xf32, #tpu.memory_space<vmem>>
    tpu.wait_dma2 semaphore(%arg11 : memref<!tpu.dma_semaphore, #tpu.memory_space<semaphore_mem>>) src(%dma_wait3A_123 : memref<26x32xf32, #tpu.memory_space<vmem>>) dst(%dma_wait3A_120 : memref<26x32xf32, #tpu.memory_space<hbm>>)
    %dma_wait3A_124 = arith.constant 0 : i32
    %dma_wait3A_125 = arith.constant 0 : i32
    %dma_wait3A_126 = tpu.memref_slice %arg8[%dma_wait3A_124, %dma_wait3A_125] : memref<208x32xf32, #tpu.memory_space<vmem>> -> memref<26x32xf32, #tpu.memory_space<vmem>>
    %dma_wait3A_127 = arith.constant 0 : i32
    %dma_wait3A_128 = arith.constant 0 : i32
    %dma_wait3A_129 = tpu.memref_slice %arg4[%mul3A_4, %dma_wait3A_127, %dma_wait3A_128] : memref<16384x32x128xf32, #tpu.memory_space<hbm>> -> memref<1x26x32xf32, #tpu.memory_space<hbm>>
    %dma_wait3A_130 = tpu.memref_squeeze %dma_wait3A_129 : memref<1x26x32xf32, #tpu.memory_space<hbm>> -> memref<26x32xf32, #tpu.memory_space<hbm>>
    %dma_wait3A_131 = arith.constant 0 : i32
    %dma_wait3A_132 = arith.constant 0 : i32
    %dma_wait3A_133 = tpu.memref_slice %arg4[%mul3A_4, %dma_wait3A_131, %dma_wait3A_132] : memref<16384x32x128xf32, #tpu.memory_space<hbm>> -> memref<1x26x32xf32, #tpu.memory_space<hbm>>
    %dma_wait3A_134 = tpu.memref_squeeze %dma_wait3A_133 : memref<1x26x32xf32, #tpu.memory_space<hbm>> -> memref<26x32xf32, #tpu.memory_space<hbm>>
    %dma_wait3A_135 = arith.constant 0 : i32
    %dma_wait3A_136 = arith.constant 0 : i32
    %dma_wait3A_137 = tpu.memref_slice %arg8[%dma_wait3A_135, %dma_wait3A_136] : memref<208x32xf32, #tpu.memory_space<vmem>> -> memref<26x32xf32, #tpu.memory_space<vmem>>
    tpu.wait_dma2 semaphore(%arg12 : memref<!tpu.dma_semaphore, #tpu.memory_space<semaphore_mem>>) src(%dma_wait3A_137 : memref<26x32xf32, #tpu.memory_space<vmem>>) dst(%dma_wait3A_134 : memref<26x32xf32, #tpu.memory_space<hbm>>)
    %dma_wait3A_138 = arith.constant 0 : i32
    %dma_wait3A_139 = arith.constant 0 : i32
    %dma_wait3A_140 = tpu.memref_slice %arg8[%dma_wait3A_138, %dma_wait3A_139] : memref<208x32xf32, #tpu.memory_space<vmem>> -> memref<26x32xf32, #tpu.memory_space<vmem>>
    %dma_wait3A_141 = arith.constant 0 : i32
    %dma_wait3A_142 = arith.constant 0 : i32
    %dma_wait3A_143 = tpu.memref_slice %arg4[%mul3A_4, %dma_wait3A_141, %dma_wait3A_142] : memref<16384x32x128xf32, #tpu.memory_space<hbm>> -> memref<1x26x32xf32, #tpu.memory_space<hbm>>
    %dma_wait3A_144 = tpu.memref_squeeze %dma_wait3A_143 : memref<1x26x32xf32, #tpu.memory_space<hbm>> -> memref<26x32xf32, #tpu.memory_space<hbm>>
    %dma_wait3A_145 = arith.constant 0 : i32
    %dma_wait3A_146 = arith.constant 0 : i32
    %dma_wait3A_147 = tpu.memref_slice %arg4[%mul3A_4, %dma_wait3A_145, %dma_wait3A_146] : memref<16384x32x128xf32, #tpu.memory_space<hbm>> -> memref<1x26x32xf32, #tpu.memory_space<hbm>>
    %dma_wait3A_148 = tpu.memref_squeeze %dma_wait3A_147 : memref<1x26x32xf32, #tpu.memory_space<hbm>> -> memref<26x32xf32, #tpu.memory_space<hbm>>
    %dma_wait3A_149 = arith.constant 0 : i32
    %dma_wait3A_150 = arith.constant 0 : i32
    %dma_wait3A_151 = tpu.memref_slice %arg8[%dma_wait3A_149, %dma_wait3A_150] : memref<208x32xf32, #tpu.memory_space<vmem>> -> memref<26x32xf32, #tpu.memory_space<vmem>>
    tpu.wait_dma2 semaphore(%arg12 : memref<!tpu.dma_semaphore, #tpu.memory_space<semaphore_mem>>) src(%dma_wait3A_151 : memref<26x32xf32, #tpu.memory_space<vmem>>) dst(%dma_wait3A_148 : memref<26x32xf32, #tpu.memory_space<hbm>>)
    %dma_wait3A_152 = arith.constant 0 : i32
    %dma_wait3A_153 = arith.constant 0 : i32
    %dma_wait3A_154 = tpu.memref_slice %arg8[%dma_wait3A_152, %dma_wait3A_153] : memref<208x32xf32, #tpu.memory_space<vmem>> -> memref<26x32xf32, #tpu.memory_space<vmem>>
    %dma_wait3A_155 = arith.constant 0 : i32
    %dma_wait3A_156 = arith.constant 0 : i32
    %dma_wait3A_157 = tpu.memref_slice %arg4[%mul3A_4, %dma_wait3A_155, %dma_wait3A_156] : memref<16384x32x128xf32, #tpu.memory_space<hbm>> -> memref<1x26x32xf32, #tpu.memory_space<hbm>>
    %dma_wait3A_158 = tpu.memref_squeeze %dma_wait3A_157 : memref<1x26x32xf32, #tpu.memory_space<hbm>> -> memref<26x32xf32, #tpu.memory_space<hbm>>
    %dma_wait3A_159 = arith.constant 0 : i32
    %dma_wait3A_160 = arith.constant 0 : i32
    %dma_wait3A_161 = tpu.memref_slice %arg4[%mul3A_4, %dma_wait3A_159, %dma_wait3A_160] : memref<16384x32x128xf32, #tpu.memory_space<hbm>> -> memref<1x26x32xf32, #tpu.memory_space<hbm>>
    %dma_wait3A_162 = tpu.memref_squeeze %dma_wait3A_161 : memref<1x26x32xf32, #tpu.memory_space<hbm>> -> memref<26x32xf32, #tpu.memory_space<hbm>>
    %dma_wait3A_163 = arith.constant 0 : i32
    %dma_wait3A_164 = arith.constant 0 : i32
    %dma_wait3A_165 = tpu.memref_slice %arg8[%dma_wait3A_163, %dma_wait3A_164] : memref<208x32xf32, #tpu.memory_space<vmem>> -> memref<26x32xf32, #tpu.memory_space<vmem>>
    tpu.wait_dma2 semaphore(%arg12 : memref<!tpu.dma_semaphore, #tpu.memory_space<semaphore_mem>>) src(%dma_wait3A_165 : memref<26x32xf32, #tpu.memory_space<vmem>>) dst(%dma_wait3A_162 : memref<26x32xf32, #tpu.memory_space<hbm>>)
    %dma_wait3A_166 = arith.constant 0 : i32
    %dma_wait3A_167 = arith.constant 0 : i32
    %dma_wait3A_168 = tpu.memref_slice %arg8[%dma_wait3A_166, %dma_wait3A_167] : memref<208x32xf32, #tpu.memory_space<vmem>> -> memref<26x32xf32, #tpu.memory_space<vmem>>
    %dma_wait3A_169 = arith.constant 0 : i32
    %dma_wait3A_170 = arith.constant 0 : i32
    %dma_wait3A_171 = tpu.memref_slice %arg4[%mul3A_4, %dma_wait3A_169, %dma_wait3A_170] : memref<16384x32x128xf32, #tpu.memory_space<hbm>> -> memref<1x26x32xf32, #tpu.memory_space<hbm>>
    %dma_wait3A_172 = tpu.memref_squeeze %dma_wait3A_171 : memref<1x26x32xf32, #tpu.memory_space<hbm>> -> memref<26x32xf32, #tpu.memory_space<hbm>>
    %dma_wait3A_173 = arith.constant 0 : i32
    %dma_wait3A_174 = arith.constant 0 : i32
    %dma_wait3A_175 = tpu.memref_slice %arg4[%mul3A_4, %dma_wait3A_173, %dma_wait3A_174] : memref<16384x32x128xf32, #tpu.memory_space<hbm>> -> memref<1x26x32xf32, #tpu.memory_space<hbm>>
    %dma_wait3A_176 = tpu.memref_squeeze %dma_wait3A_175 : memref<1x26x32xf32, #tpu.memory_space<hbm>> -> memref<26x32xf32, #tpu.memory_space<hbm>>
    %dma_wait3A_177 = arith.constant 0 : i32
    %dma_wait3A_178 = arith.constant 0 : i32
    %dma_wait3A_179 = tpu.memref_slice %arg8[%dma_wait3A_177, %dma_wait3A_178] : memref<208x32xf32, #tpu.memory_space<vmem>> -> memref<26x32xf32, #tpu.memory_space<vmem>>
    tpu.wait_dma2 semaphore(%arg12 : memref<!tpu.dma_semaphore, #tpu.memory_space<semaphore_mem>>) src(%dma_wait3A_179 : memref<26x32xf32, #tpu.memory_space<vmem>>) dst(%dma_wait3A_176 : memref<26x32xf32, #tpu.memory_space<hbm>>)
    %dma_wait3A_180 = arith.constant 0 : i32
    %dma_wait3A_181 = arith.constant 0 : i32
    %dma_wait3A_182 = tpu.memref_slice %arg8[%dma_wait3A_180, %dma_wait3A_181] : memref<208x32xf32, #tpu.memory_space<vmem>> -> memref<26x32xf32, #tpu.memory_space<vmem>>
    %dma_wait3A_183 = arith.constant 0 : i32
    %dma_wait3A_184 = arith.constant 0 : i32
    %dma_wait3A_185 = tpu.memref_slice %arg4[%mul3A_4, %dma_wait3A_183, %dma_wait3A_184] : memref<16384x32x128xf32, #tpu.memory_space<hbm>> -> memref<1x26x32xf32, #tpu.memory_space<hbm>>
    %dma_wait3A_186 = tpu.memref_squeeze %dma_wait3A_185 : memref<1x26x32xf32, #tpu.memory_space<hbm>> -> memref<26x32xf32, #tpu.memory_space<hbm>>
    %dma_wait3A_187 = arith.constant 0 : i32
    %dma_wait3A_188 = arith.constant 0 : i32
    %dma_wait3A_189 = tpu.memref_slice %arg4[%mul3A_4, %dma_wait3A_187, %dma_wait3A_188] : memref<16384x32x128xf32, #tpu.memory_space<hbm>> -> memref<1x26x32xf32, #tpu.memory_space<hbm>>
    %dma_wait3A_190 = tpu.memref_squeeze %dma_wait3A_189 : memref<1x26x32xf32, #tpu.memory_space<hbm>> -> memref<26x32xf32, #tpu.memory_space<hbm>>
    %dma_wait3A_191 = arith.constant 0 : i32
    %dma_wait3A_192 = arith.constant 0 : i32
    %dma_wait3A_193 = tpu.memref_slice %arg8[%dma_wait3A_191, %dma_wait3A_192] : memref<208x32xf32, #tpu.memory_space<vmem>> -> memref<26x32xf32, #tpu.memory_space<vmem>>
    tpu.wait_dma2 semaphore(%arg12 : memref<!tpu.dma_semaphore, #tpu.memory_space<semaphore_mem>>) src(%dma_wait3A_193 : memref<26x32xf32, #tpu.memory_space<vmem>>) dst(%dma_wait3A_190 : memref<26x32xf32, #tpu.memory_space<hbm>>)
    %dma_wait3A_194 = arith.constant 0 : i32
    %dma_wait3A_195 = arith.constant 0 : i32
    %dma_wait3A_196 = tpu.memref_slice %arg8[%dma_wait3A_194, %dma_wait3A_195] : memref<208x32xf32, #tpu.memory_space<vmem>> -> memref<26x32xf32, #tpu.memory_space<vmem>>
    %dma_wait3A_197 = arith.constant 0 : i32
    %dma_wait3A_198 = arith.constant 0 : i32
    %dma_wait3A_199 = tpu.memref_slice %arg4[%mul3A_4, %dma_wait3A_197, %dma_wait3A_198] : memref<16384x32x128xf32, #tpu.memory_space<hbm>> -> memref<1x26x32xf32, #tpu.memory_space<hbm>>
    %dma_wait3A_200 = tpu.memref_squeeze %dma_wait3A_199 : memref<1x26x32xf32, #tpu.memory_space<hbm>> -> memref<26x32xf32, #tpu.memory_space<hbm>>
    %dma_wait3A_201 = arith.constant 0 : i32
    %dma_wait3A_202 = arith.constant 0 : i32
    %dma_wait3A_203 = tpu.memref_slice %arg4[%mul3A_4, %dma_wait3A_201, %dma_wait3A_202] : memref<16384x32x128xf32, #tpu.memory_space<hbm>> -> memref<1x26x32xf32, #tpu.memory_space<hbm>>
    %dma_wait3A_204 = tpu.memref_squeeze %dma_wait3A_203 : memref<1x26x32xf32, #tpu.memory_space<hbm>> -> memref<26x32xf32, #tpu.memory_space<hbm>>
    %dma_wait3A_205 = arith.constant 0 : i32
    %dma_wait3A_206 = arith.constant 0 : i32
    %dma_wait3A_207 = tpu.memref_slice %arg8[%dma_wait3A_205, %dma_wait3A_206] : memref<208x32xf32, #tpu.memory_space<vmem>> -> memref<26x32xf32, #tpu.memory_space<vmem>>
    tpu.wait_dma2 semaphore(%arg12 : memref<!tpu.dma_semaphore, #tpu.memory_space<semaphore_mem>>) src(%dma_wait3A_207 : memref<26x32xf32, #tpu.memory_space<vmem>>) dst(%dma_wait3A_204 : memref<26x32xf32, #tpu.memory_space<hbm>>)
    %dma_wait3A_208 = arith.constant 0 : i32
    %dma_wait3A_209 = arith.constant 0 : i32
    %dma_wait3A_210 = tpu.memref_slice %arg8[%dma_wait3A_208, %dma_wait3A_209] : memref<208x32xf32, #tpu.memory_space<vmem>> -> memref<26x32xf32, #tpu.memory_space<vmem>>
    %dma_wait3A_211 = arith.constant 0 : i32
    %dma_wait3A_212 = arith.constant 0 : i32
    %dma_wait3A_213 = tpu.memref_slice %arg4[%mul3A_4, %dma_wait3A_211, %dma_wait3A_212] : memref<16384x32x128xf32, #tpu.memory_space<hbm>> -> memref<1x26x32xf32, #tpu.memory_space<hbm>>
    %dma_wait3A_214 = tpu.memref_squeeze %dma_wait3A_213 : memref<1x26x32xf32, #tpu.memory_space<hbm>> -> memref<26x32xf32, #tpu.memory_space<hbm>>
    %dma_wait3A_215 = arith.constant 0 : i32
    %dma_wait3A_216 = arith.constant 0 : i32
    %dma_wait3A_217 = tpu.memref_slice %arg4[%mul3A_4, %dma_wait3A_215, %dma_wait3A_216] : memref<16384x32x128xf32, #tpu.memory_space<hbm>> -> memref<1x26x32xf32, #tpu.memory_space<hbm>>
    %dma_wait3A_218 = tpu.memref_squeeze %dma_wait3A_217 : memref<1x26x32xf32, #tpu.memory_space<hbm>> -> memref<26x32xf32, #tpu.memory_space<hbm>>
    %dma_wait3A_219 = arith.constant 0 : i32
    %dma_wait3A_220 = arith.constant 0 : i32
    %dma_wait3A_221 = tpu.memref_slice %arg8[%dma_wait3A_219, %dma_wait3A_220] : memref<208x32xf32, #tpu.memory_space<vmem>> -> memref<26x32xf32, #tpu.memory_space<vmem>>
    tpu.wait_dma2 semaphore(%arg12 : memref<!tpu.dma_semaphore, #tpu.memory_space<semaphore_mem>>) src(%dma_wait3A_221 : memref<26x32xf32, #tpu.memory_space<vmem>>) dst(%dma_wait3A_218 : memref<26x32xf32, #tpu.memory_space<hbm>>)
    %dma_wait3A_222 = arith.constant 0 : i32
    %dma_wait3A_223 = arith.constant 0 : i32
    %dma_wait3A_224 = tpu.memref_slice %arg8[%dma_wait3A_222, %dma_wait3A_223] : memref<208x32xf32, #tpu.memory_space<vmem>> -> memref<26x32xf32, #tpu.memory_space<vmem>>
    %dma_wait3A_225 = arith.constant 0 : i32
    %dma_wait3A_226 = arith.constant 0 : i32
    %dma_wait3A_227 = tpu.memref_slice %arg4[%mul3A_4, %dma_wait3A_225, %dma_wait3A_226] : memref<16384x32x128xf32, #tpu.memory_space<hbm>> -> memref<1x26x32xf32, #tpu.memory_space<hbm>>
    %dma_wait3A_228 = tpu.memref_squeeze %dma_wait3A_227 : memref<1x26x32xf32, #tpu.memory_space<hbm>> -> memref<26x32xf32, #tpu.memory_space<hbm>>
    %dma_wait3A_229 = arith.constant 0 : i32
    %dma_wait3A_230 = arith.constant 0 : i32
    %dma_wait3A_231 = tpu.memref_slice %arg4[%mul3A_4, %dma_wait3A_229, %dma_wait3A_230] : memref<16384x32x128xf32, #tpu.memory_space<hbm>> -> memref<1x26x32xf32, #tpu.memory_space<hbm>>
    %dma_wait3A_232 = tpu.memref_squeeze %dma_wait3A_231 : memref<1x26x32xf32, #tpu.memory_space<hbm>> -> memref<26x32xf32, #tpu.memory_space<hbm>>
    %dma_wait3A_233 = arith.constant 0 : i32
    %dma_wait3A_234 = arith.constant 0 : i32
    %dma_wait3A_235 = tpu.memref_slice %arg8[%dma_wait3A_233, %dma_wait3A_234] : memref<208x32xf32, #tpu.memory_space<vmem>> -> memref<26x32xf32, #tpu.memory_space<vmem>>
    tpu.wait_dma2 semaphore(%arg12 : memref<!tpu.dma_semaphore, #tpu.memory_space<semaphore_mem>>) src(%dma_wait3A_235 : memref<26x32xf32, #tpu.memory_space<vmem>>) dst(%dma_wait3A_232 : memref<26x32xf32, #tpu.memory_space<hbm>>)
    return
  }
}

</mosaic_0001>

<sc_bundles>
// kernel: kernel.3.cloned.1.call-start
scs
__scs_entry_jumppad:
0x0: {  	(pc) =	sbr.rel $0x88, $3  }
0x1: {  	(tag) =	ssettag $0x0;
	lr =	simm.s32 $0x1  }
0x2: {  	[smem:$0x3F9F] =	sst lr;
	_ =	strace $0xD0000000  }
0x3: {  	_ = 	snop  }
0x4: {  	_ = 	snop  }
0x5: {  	_ = 	snop  }
0x6: {  	_ = 	snop  }
0x7: {  	_ = 	snop  }
__scs_overlays_trampoline_lowered:
0x8: {  	[smem:$0x3FAE] =	sst s0  }
0x9: {  	[smem:$0x3FAF] =	sst s1  }
0xa: {  	[smem:$0x3FB0] =	sst s2  }
0xb: {  	[smem:$0x3FB1] =	sst s3  }
0xc: {  	[smem:$0x3FB2] =	sst s4  }
0xd: {  	[smem:$0x3FB3] =	sst s5  }
0xe: {  	[smem:$0x3FB4] =	sst s6  }
0xf: {  	[smem:$0x3FB5] =	sst s7  }
0x10: {  	[smem:$0x3FB6] =	sst s8  }
0x11: {  	[smem:$0x3FB7] =	sst s9;
	s0 =	simm.s32 @!p0 $0x0  }
0x12: {  	s1 =	sld [smem:$0x3F9D];
	s0 =	simm.s32 @p0 $0x1  }
0x13: {  	[smem:$0x3FB8] =	sst s0;
	s0 =	simm.s32 @!p1 $0x0  }
0x14: {  	s2 =	sld [smem:$0x3F9C];
	s0 =	simm.s32 @p1 $0x1  }
0x15: {  	[smem:$0x3FB9] =	sst s0;
	s0 =	simm.s32 @!p2 $0x0  }
0x16: {  	s3 =	sld [smem:$0x3FDB];
	s0 =	simm.s32 @p2 $0x1  }
0x17: {  	s4 =	simm.s32 $0x1BF5;
	[smem:$0x3FBB] =	sst s0  }
0x18: {  	s0 =	sld [smem:$0x3F9E];
	_ =	swait.ge [sflag:s4], $0x0  }
0x19: {  	s7 =	sld [smem:$0x3F9F]  }
0x1a: {  	s8 =	sadd.s32 $0xFFFFE003, lr  }
0x1b: {  	s9 =	sadd.s32 $0xFFFFFEF7, lr;
	s5 =	simm.s32 $0xFFFFFFFF;
	p2 =	slt.u32 s8, $0xFFFFF086  }
0x1c: {  	p1 =	slt.u32 s9, $0xF7A;
	s5 =	simm.s32 @!p2 $0x0  }
0x1d: {  	s5 =	simm.s32 @p1 $0x1;
	p0 =	seq.s32 s7, s2  }
0x1e: {  	s7 =	smul.u32 @!p0 $0xF7A, s2;
	p2 =	seq.s32 @!p0 s5, $0x0  }
0x1f: {  	s9 =	smul.u32 $0xF7A, s1;
	s8 =	simm.s32 @!p0 $0x1BF5;
	p2 =	por !p2, p0  }
0x20: {  	[sflag:s8] =	ssyncset.s32 @!p0 $0xFFFFF086;
	s6 =	sadd.s32 @!p0 s3, s7;
	s7 =	simm.s32 @!p0 $0x108  }
0x21: {  	s3 =	sadd.s32 s3, s9;
	s6 =	sadd.s32 @!p0 $0x88, s6;
	s7 =	simm.s32 @p2 $0x1082  }
0x22: {  	[simem:s7], [sflag:s8] =	dma.local @!p0 [hbm:s6], $0xF7A  }
0x23: {  	s9 =	sor.u32 $0xD0000000, s2;
	s6 =	simm.s32 $0x108;
	_ =	swait.ge @!p0 [sflag:s8], $0x0  }
0x24: {  	s3 =	sadd.s32 $0x88, s3;
	s6 =	simm.s32 @!p1 $0x1082;
	[sflag:s4] =	ssyncset.s32 $0xFFFFF086  }
0x25: {  	[simem:s6], [sflag:s4] =	dma.local [hbm:s3], $0xF7A  }
0x26: {  	[smem:$0x3F9F] =	sst s1;
	(tag) =	ssettag s2;
	_ =	strace s9  }
0x27: {  	s1 =	sld [smem:$0x3FAF]  }
0x28: {  	s2 =	sld [smem:$0x3FB0]  }
0x29: {  	s4 =	sld [smem:$0x3FB2]  }
0x2a: {  	p0 =	seq.s32 s5, $0x0;
	s5 =	sld [smem:$0x3FB3]  }
0x2b: {  	s6 =	sld [smem:$0x3FB4]  }
0x2c: {  	s7 =	sld [smem:$0x3FB5]  }
0x2d: {  	s3 =	simm.s32 $0x108;
	s8 =	sld [smem:$0x3FB6]  }
0x2e: {  	s3 =	simm.s32 @!p0 $0x1082;
	s9 =	sld [smem:$0x3FB7]  }
0x2f: {  	lr =	sadd.s32 s0, s3;
	s0 =	sld [smem:$0x3FAE]  }
0x30: {  	s3 =	sld [smem:$0x3FB1]  }
0x31: {  	[smem:$0x3FBA] =	sst s10  }
0x32: {  	s10 =	sld [smem:$0x3FB8];
	_ =	sdelay $0x3  }
0x33: {  	p0 =	seq.s32 s10, $0x1;
	s10 =	sld [smem:$0x3FBA];
	_ =	sdelay $0x3  }
0x34: {  	[smem:$0x3FBA] =	sst s10  }
0x35: {  	s10 =	sld [smem:$0x3FB9];
	_ =	sdelay $0x3  }
0x36: {  	p1 =	seq.s32 s10, $0x1;
	s10 =	sld [smem:$0x3FBA];
	_ =	sdelay $0x3  }
0x37: {  	[smem:$0x3FBA] =	sst s10  }
0x38: {  	s10 =	sld [smem:$0x3FBB]  }
0x39: {  	_ = 	snop;
	(pc) =	sbr.ind lr, $3  }
0x3a: {  	_ = 	snop  }
0x3b: {  	_ = 	snop  }
0x3c: {  	p2 =	seq.s32 s10, $0x1;
	s10 =	sld [smem:$0x3FBA]  }
0x3d: {  	_ =	shalt  }
0x3e: {  	_ =	shalt  }
0x3f: {  	_ =	shalt  }
0x40: {  	_ =	shalt  }
0x41: {  	_ =	shalt  }
0x42: {  	_ =	shalt  }
0x43: {  	_ =	shalt  }
0x44: {  	_ =	shalt  }
0x45: {  	_ =	shalt  }
0x46: {  	_ =	shalt  }
0x47: {  	_ =	shalt  }
0x48: {  	_ =	shalt  }
0x49: {  	_ =	shalt  }
0x4a: {  	_ =	shalt  }
0x4b: {  	_ =	shalt  }
0x4c: {  	_ =	shalt  }
0x4d: {  	_ =	shalt  }
0x4e: {  	_ =	shalt  }
0x4f: {  	_ =	shalt  }
0x50: {  	_ =	shalt  }
0x51: {  	_ =	shalt  }
0x52: {  	_ =	shalt  }
0x53: {  	_ =	shalt  }
0x54: {  	_ =	shalt  }
0x55: {  	_ =	shalt  }
0x56: {  	_ =	shalt  }
0x57: {  	_ =	shalt  }
0x58: {  	_ =	shalt  }
0x59: {  	_ =	shalt  }
0x5a: {  	_ =	shalt  }
0x5b: {  	_ =	shalt  }
0x5c: {  	_ =	shalt  }
0x5d: {  	_ =	shalt  }
0x5e: {  	_ =	shalt  }
0x5f: {  	_ =	shalt  }
0x60: {  	_ =	shalt  }
0x61: {  	_ =	shalt  }
0x62: {  	_ =	shalt  }
0x63: {  	_ =	shalt  }
0x64: {  	_ =	shalt  }
0x65: {  	_ =	shalt  }
0x66: {  	_ =	shalt  }
0x67: {  	_ =	shalt  }
0x68: {  	_ =	shalt  }
0x69: {  	_ =	shalt  }
0x6a: {  	_ =	shalt  }
0x6b: {  	_ =	shalt  }
0x6c: {  	_ =	shalt  }
0x6d: {  	_ =	shalt  }
0x6e: {  	_ =	shalt  }
0x6f: {  	_ =	shalt  }
0x70: {  	_ =	shalt  }
0x71: {  	_ =	shalt  }
0x72: {  	_ =	shalt  }
0x73: {  	_ =	shalt  }
0x74: {  	_ =	shalt  }
0x75: {  	_ =	shalt  }
0x76: {  	_ =	shalt  }
0x77: {  	_ =	shalt  }
0x78: {  	_ =	shalt  }
0x79: {  	_ =	shalt  }
0x7a: {  	_ =	shalt  }
0x7b: {  	_ =	shalt  }
0x7c: {  	_ =	shalt  }
0x7d: {  	_ =	shalt  }
0x7e: {  	_ =	shalt  }
0x7f: {  	_ =	shalt  }
0x80: {  	_ =	shalt  }
0x81: {  	_ =	shalt  }
0x82: {  	_ =	shalt  }
0x83: {  	_ =	shalt  }
0x84: {  	_ =	shalt  }
0x85: {  	_ =	shalt  }
0x86: {  	_ =	shalt  }
0x87: {  	_ =	shalt  }
.Lfunc_end0:
.L_simem_size_0:
called_computation.1_lowered:
.L_overlay_start_0:
0x88: {  	s2 =	sld [smem:$0x3FD9]  }
0x89: {  	s3 =	sld [smem:$0x3FFE];
	_ =	sdelay $0x1  }
0x8a: {  	s1 =	srdreg.scid  }
0x8b: {  	s0 =	sand.u32 $0x1, s1  }
0x8c: {  	s17 =	sshll.u32 s0, $0xA;
	s2 =	sadd.s32 s3, s2  }
0x8d: {  	s2 =	sadd.s32 s2, s17  }
0x8e: {  	[smem:$0x3FC6] =	sst s2  }
0x8f: {  	_ = 	snop  }
0x90: {  	s2 =	sld [smem:$0x3FD0];
	(tm) =	ssettm $0x1  }
0x91: {  	s18 =	sld [smem:$0x3FFB];
	_ =	sdelay $0x3  }
0x92: {  	_ =	strace s18  }
0x93: {  	s3 =	sld [smem:$0x3FFC];
	_ =	sdelay $0x3  }
0x94: {  	_ =	strace s3  }
0x95: {  	s3 =	sld [smem:$0x3FFD];
	_ =	sdelay $0x3  }
0x96: {  	_ =	strace s3  }
0x97: {  	_ =	strace $0x8FFFFFFF  }
0x98: {  	s19 =	sld [smem:$0x3FDB];
	_ =	sdelay $0x1  }
0x99: {  	s4 =	simm.s32 $_scs_section_size  }
0x9a: {  	s5 =	simm.s32 $_size__tile_overlayer_lowered;
	s6 =	simm.s32 $_tile_overlayer_lowered  }
0x9b: {  	s22 =	simm.s32 $0x1BFF;
	s21 =	sshll.u32 s6, $0x1;
	s3 =	sadd.s32 s4, s19  }
0x9c: {  	s7 =	simm.s32 $0x0;
	s20 =	sshll.u32 s5, $0x1;
	s5 =	sadd.s32 s21, s3  }
0x9d: {  	[timem:s7], [sflag:s22] =	dma.local [hbm:s5], s20  }
0x9e: {  	_ =	swait.ge [sflag:s22], s20  }
0x9f: {  	s4 =	ssub.s32 $0x0, s20;
	[sflag:s22] =	ssyncset.done $0x0  }
0xa0: {  	[sflag:s22] =	ssyncadd.s32 s4;
	_ =	sdelay $0x1  }
0xa1: {  	s23 =	simm.s32 $0x1B8B  }
0xa2: {  	_ =	swait.ge [sflag:s23], $0x1  }
0xa3: {  	[sflag:s23] =	ssyncset.done $0x0  }
0xa4: {  	s25 =	simm.s32 $0x1B8E;
	s24 =	sld [smem:$0x3FFE];
	[sflag:s23] =	ssyncadd.s32 $0xFFFFFFFF  }
0xa5: {  	s26 =	simm.s32 $execute0_lowered;
	[smem:$0x3FD2] =	sst s25  }
0xa6: {  	s5 =	sshll.u32 s26, $0x1;
	_ =	strace $0x80000046;
	[dreg:$0x1] =	wrdreg $0xFFFFFFFF  }
0xa7: {  	s28 =	simm.s32 $_size_execute0_lowered;
	s3 =	sadd.s32 s3, s5;
	[dreg:$0x0] =	wrdreg $0x0  }
0xa8: {  	s5 =	sshll.u32 s28, $0x1;
	[dreg:$0x2] =	wrdreg s3  }
0xa9: {  	[dreg:$0x3] =	wrdreg s5  }
0xaa: {  	[dreg:$0x4] =	wrdreg $0xC0  }
0xab: {  	_ =	task [dreg:s7], $0x5FFFF  }
0xac: {  	[dreg:$0x1] =	wrdreg $0xFFFFFFFF  }
0xad: {  	[dreg:$0x0] =	wrdreg $0x60  }
0xae: {  	[dreg:$0x2] =	wrdreg s2  }
0xaf: {  	[dreg:$0x3] =	wrdreg s24  }
0xb0: {  	[dreg:$0x4] =	wrdreg $0x9  }
0xb1: {  	_ =	task.clear_ibuf [dreg:s7], $0x5FFFF;
	_ =	strace $0x90000046  }
0xb2: {  	s29 =	simm.s32 $0x9;
	_ =	strace $0x80000048  }
0xb3: {  	_ =	swait.ge [sflag:s29], $0x1  }
0xb4: {  	[sflag:s29] =	ssyncadd.s32 $0xFFFFFFFF  }
0xb5: {  	_ =	strace $0x90000048  }
0xb6: {  	_ =	sfence  }
0xb7: {  	s30 =	sld [smem:$0x0];
	_ =	sdelay $0x2  }
0xb8: {  	s31 =	sshll.u32 s1, $0xD;
	s1 =	sshrl.u32 s1, $0x2  }
0xb9: {  	s3 =	sand.u32 $0x4000, s31;
	s1 =	sadd.s32 s1, s30  }
0xba: {  	s0 =	sor.u32 s3, s0;
	s1 =	sshll.u32 s1, $0x11  }
0xbb: {  	s0 =	sor.u32 s1, s0  }
0xbc: {  	s0 =	sadd.s32 $0x8F2B, s0  }
0xbd: {  	[sflag:s0] =	ssyncadd.remote.s32 $0x1  }
0xbe: {  	_ =	sfence.sel $0xFFFF  }
0xbf: {  	[dreg:$0x0] =	wrdreg $0xFFFFFFFF;
	(pc) =	sbr.abs _section_cstart, $3  }
0xc0: {  	[dreg:$0x1] =	wrdreg $0xFFFFFFFF  }
0xc1: {  	_ =	task.clear_ibuf [dreg:s7], $0x2FFFF;
	_ =	strace $0x9FFFFFFF  }
0xc2: {  	(tm) =	ssettm $0x7FFFFFFF  }
0xc3: {  	_ =	shalt  }
tec
execute0_lowered:
.L_overlay_start_1:
0x0: {  	(tag) =	ssettag $0x1  }
0x1: {  	s0 =	rddreg [dreg:$0x0];
	s7 =	stileid.u32  }
0x2: {  	s1 =	srdreg.scid;
	s4 =	rddreg [dreg:$0x1]  }
0x3: {  	s2 =	simm.s32 $0x0;
	s10 =	simm.s32 $0xD0;
	s11 =	simm.s32 $0x1A0  }
0x4: {  	s12 =	simm.s32 $0x1;
	s13 =	simm.s32 $0x20;
	s14 =	simm.s32 $0x80  }
0x5: {  	s15 =	simm.s32 $0x4E0;
	s16 =	simm.s32 $0x820;
	s17 =	simm.s32 $0xB60  }
0x6: {  	s18 =	simm.s32 $0xEA0;
	s19 =	simm.s32 $0x11E0;
	s20 =	simm.s32 $0x1520  }
0x7: {  	s21 =	simm.s32 $0x1860;
	s22 =	simm.s32 $0x1BA0;
	s28 =	simm.s32 $0x28A0  }
0x8: {  	s29 =	simm.s32 $0x2BE0;
	s30 =	simm.s32 $0x2F20;
	s31 =	simm.s32 $0x3260  }
0x9: {  	s1 =	sand.u32 $0x1, s1;
	s3 =	sshll.u32 s7, $0x1;
	[smem:$0x7FF] =	sst s2  }
0xa: {  	s6 =	smul.u32 $0x6800, s7;
	s7 =	sshll.u32 s7, $0x13;
	s3 =	sor.u32 s1, s3  }
0xb: {  	_ =	strace $0x80000047;
	s8 =	ssub.s32 $0x2, s1;
	s9 =	smul.u32 $0x3400, s1  }
0xc: {  	s1 =	sshll.u32 s1, $0x12;
	s5 =	smul.u32 $0x3400, s3;
	s23 =	sshrl.u32 s8, $0x1  }
0xd: {  	s3 =	sadd.s32 $0xF42E00, s4;
	s4 =	sadd.s32 s7, s4;
	s7 =	ssub.s32 s8, s23  }
0xe: {  	s6 =	sadd.s32 s9, s6;
	s1 =	sadd.s32 s1, s4;
	s9 =	simm.s32 $0x5  }
0xf: {  	s23 =	simm.s32 $0x2;
	s5 =	sshrl.u32 s5, $0x3;
	s24 =	smax.u32 s7, $0x1  }
0x10: {  	s25 =	sor.u32 $0x1A0, s6;
	s6 =	sor.u32 $0xD0, s6;
	s8 =	sadd.s32 $0xA00, s1  }
.Ltmp0:
0x11: {  	s5 =	sadd.s32 s0, s5;
	[dreg:$0x4] =	wrdreg s24;
	(pc) =	sbr.rel .LBB2_1-.Ltmp0, $4  }
0x12: {  	s1 =	simm.s32 $0x3;
	[dreg:$0x3] =	wrdreg s5;
	s5 =	sshrl.u32 s25, $0x3  }
0x13: {  	s26 =	sshrl.u32 s6, $0x3;
	s24 =	simm.s32 $0x1EE0;
	s5 =	sadd.s32 s5, s0  }
0x14: {  	s25 =	simm.s32 $0x2220;
	s0 =	sadd.s32 s26, s0;
	[dreg:$0x5] =	wrdreg s5  }
0x15: {  	s26 =	simm.s32 $0x2560;
	[dreg:$0x6] =	wrdreg s0;
	s5 =	simm.s32 $0x0  }
.LBB2_4:
0x16: {  	s4 =	simm.s32 $0x4  }
0x17: {  	_ =	swait.ge [sflag:s4], $0x340  }
0x18: {  	[sflag:s4] =	ssyncset.done $0x0  }
0x19: {  	[sflag:s4] =	ssyncadd.s32 $0xFFFFFCC0  }
0x1a: {  	_ =	swait.ge [sflag:s4], $0x340  }
0x1b: {  	[sflag:s4] =	ssyncset.done $0x0  }
0x1c: {  	[sflag:s4] =	ssyncadd.s32 $0xFFFFFCC0  }
0x1d: {  	_ =	swait.ge [sflag:s4], $0x340  }
0x1e: {  	[sflag:s4] =	ssyncset.done $0x0  }
0x1f: {  	[sflag:s4] =	ssyncadd.s32 $0xFFFFFCC0  }
0x20: {  	_ =	swait.ge [sflag:s4], $0x340  }
0x21: {  	[sflag:s4] =	ssyncset.done $0x0  }
0x22: {  	[sflag:s4] =	ssyncadd.s32 $0xFFFFFCC0  }
0x23: {  	_ =	swait.ge [sflag:s4], $0x340  }
0x24: {  	[sflag:s4] =	ssyncset.done $0x0  }
0x25: {  	[sflag:s4] =	ssyncadd.s32 $0xFFFFFCC0  }
0x26: {  	_ =	swait.ge [sflag:s4], $0x340  }
0x27: {  	[sflag:s4] =	ssyncset.done $0x0  }
0x28: {  	[sflag:s4] =	ssyncadd.s32 $0xFFFFFCC0  }
0x29: {  	_ =	swait.ge [sflag:s4], $0x340  }
0x2a: {  	[sflag:s4] =	ssyncset.done $0x0  }
0x2b: {  	[sflag:s4] =	ssyncadd.s32 $0xFFFFFCC0  }
0x2c: {  	_ =	swait.ge [sflag:s4], $0x340  }
0x2d: {  	s5 =	rddreg [dreg:$0x7]  }
0x2e: {  	s0 =	rddreg [dreg:$0x4];
	s5 =	sadd.s32 $0x1, s5  }
0x2f: {  	p0 =	sne.s32 s5, s0  }
.Ltmp1:
0x30: {  	_ = 	snop;
	(pc) =	sbr.rel @!p0 .LBB2_5-.Ltmp1, $3  }
0x31: {  	_ =	sdelay $0x1  }
0x32: {  	[sflag:s4] =	ssyncset.done $0x0  }
0x33: {  	[sflag:s4] =	ssyncadd.s32 $0xFFFFFCC0  }
.LBB2_1:
0x34: {  	[dreg:$0x7] =	wrdreg s5  }
0x35: {  	s0 =	rddreg [dreg:$0x3]  }
0x36: {  	[tilespmem:s2], [sflag:$0x5] =	stream.linear.gather [hbm4b:s0+s2], $0xD0, $0x38;
	[tilespmem:$0x35A0] =	vst v63  }
0x37: {  	_ =	swait.ge [sflag:s9], $0xD0  }
0x38: {  	[sflag:s9] =	ssyncset.done $0x0;
	s7 =	rddreg [dreg:$0x6]  }
0x39: {  	s5 =	simm.s32 $0x0;
	s6 =	rddreg [dreg:$0x5];
	[sflag:s9] =	ssyncadd.s32 $0xFFFFFF30  }
0x3a: {  	[tilespmem:s11], [sflag:$0x1] =	stream.indirect.gather [hbm4b:s3+s10], $0x20, s2, s10, $0xb8;
	[tilespmem:$0x35A0] =	vst v63  }
.LBB2_2:
0x3b: {  	_ =	swait.ge [sflag:s12], $0x1A00  }
0x3c: {  	[sflag:s12] =	ssyncset.done $0x0  }
0x3d: {  	s4 =	sadd.s32 s5, s8;
	[sflag:s12] =	ssyncadd.s32 $0xFFFFE600  }
0x3e: {  	[hbm4b:s4+s13] =	stream.strided.scatter [tilespmem:s11], [sflag:$0x3], $0x340, s14, s13, $0x38;
	[tilespmem:$0x35A0] =	vst v63  }
0x3f: {  	s0 =	sadd.s32 $0x200, s4  }
0x40: {  	[hbm4b:s0+s13] =	stream.strided.scatter [tilespmem:s15], [sflag:$0x3], $0x340, s14, s13, $0x38;
	[tilespmem:$0x35A0] =	vst v63  }
0x41: {  	s0 =	sadd.s32 $0x400, s4  }
0x42: {  	[hbm4b:s0+s13] =	stream.strided.scatter [tilespmem:s16], [sflag:$0x3], $0x340, s14, s13, $0x38;
	[tilespmem:$0x35A0] =	vst v63  }
0x43: {  	s0 =	sadd.s32 $0x600, s4  }
0x44: {  	[hbm4b:s0+s13] =	stream.strided.scatter [tilespmem:s17], [sflag:$0x3], $0x340, s14, s13, $0x38;
	[tilespmem:$0x35A0] =	vst v63  }
0x45: {  	s0 =	sadd.s32 $0x800, s4  }
0x46: {  	[hbm4b:s0+s13] =	stream.strided.scatter [tilespmem:s18], [sflag:$0x3], $0x340, s14, s13, $0x38;
	[tilespmem:$0x35A0] =	vst v63  }
0x47: {  	s0 =	sadd.s32 $0xA00, s4  }
0x48: {  	[hbm4b:s0+s13] =	stream.strided.scatter [tilespmem:s19], [sflag:$0x3], $0x340, s14, s13, $0x38;
	[tilespmem:$0x35A0] =	vst v63  }
0x49: {  	s0 =	sadd.s32 $0xC00, s4  }
0x4a: {  	[hbm4b:s0+s13] =	stream.strided.scatter [tilespmem:s20], [sflag:$0x3], $0x340, s14, s13, $0x38;
	[tilespmem:$0x35A0] =	vst v63  }
0x4b: {  	p0 =	seq.s32 s5, $0x0;
	s0 =	sadd.s32 $0xE00, s4  }
0x4c: {  	[hbm4b:s0+s13] =	stream.strided.scatter [tilespmem:s21], [sflag:$0x3], $0x340, s14, s13, $0x38;
	[tilespmem:$0x35A0] =	vst v63  }
0x4d: {  	s0 =	simm.s32 @!p0 $0x4  }
0x4e: {  	_ =	swait.ge @!p0 [sflag:s0], $0x340  }
0x4f: {  	[sflag:s0] =	ssyncset.done @!p0 $0x0  }
0x50: {  	[sflag:s0] =	ssyncadd.s32 @!p0 $0xFFFFFCC0  }
0x51: {  	_ =	swait.ge @!p0 [sflag:s0], $0x340  }
0x52: {  	[sflag:s0] =	ssyncset.done @!p0 $0x0  }
0x53: {  	[sflag:s0] =	ssyncadd.s32 @!p0 $0xFFFFFCC0  }
0x54: {  	_ =	swait.ge @!p0 [sflag:s0], $0x340  }
0x55: {  	[sflag:s0] =	ssyncset.done @!p0 $0x0  }
0x56: {  	[sflag:s0] =	ssyncadd.s32 @!p0 $0xFFFFFCC0  }
0x57: {  	_ =	swait.ge @!p0 [sflag:s0], $0x340  }
0x58: {  	[sflag:s0] =	ssyncset.done @!p0 $0x0  }
0x59: {  	[sflag:s0] =	ssyncadd.s32 @!p0 $0xFFFFFCC0  }
0x5a: {  	_ =	swait.ge @!p0 [sflag:s0], $0x340  }
0x5b: {  	[sflag:s0] =	ssyncset.done @!p0 $0x0  }
0x5c: {  	[sflag:s0] =	ssyncadd.s32 @!p0 $0xFFFFFCC0  }
0x5d: {  	_ =	swait.ge @!p0 [sflag:s0], $0x340  }
0x5e: {  	[sflag:s0] =	ssyncset.done @!p0 $0x0  }
0x5f: {  	[sflag:s0] =	ssyncadd.s32 @!p0 $0xFFFFFCC0  }
0x60: {  	_ =	swait.ge @!p0 [sflag:s0], $0x340  }
0x61: {  	[sflag:s0] =	ssyncset.done @!p0 $0x0  }
0x62: {  	[sflag:s0] =	ssyncadd.s32 @!p0 $0xFFFFFCC0  }
0x63: {  	_ =	swait.ge @!p0 [sflag:s0], $0x340  }
0x64: {  	[sflag:s0] =	ssyncset.done @!p0 $0x0  }
0x65: {  	[sflag:s0] =	ssyncadd.s32 @!p0 $0xFFFFFCC0  }
0x66: {  	[tilespmem:s10], [sflag:$0x5] =	stream.linear.gather [hbm4b:s7+s2], $0xD0, $0x38;
	[tilespmem:$0x35A0] =	vst v63  }
0x67: {  	_ =	swait.ge [sflag:s9], $0xD0  }
0x68: {  	[sflag:s9] =	ssyncset.done $0x0  }
0x69: {  	[sflag:s9] =	ssyncadd.s32 $0xFFFFFF30  }
0x6a: {  	[tilespmem:s22], [sflag:$0x2] =	stream.indirect.gather [hbm4b:s3+s10], $0x20, s10, s10, $0xb8;
	[tilespmem:$0x35A0] =	vst v63  }
0x6b: {  	_ =	swait.ge [sflag:s23], $0x1A00  }
0x6c: {  	[sflag:s23] =	ssyncset.done $0x0  }
0x6d: {  	s0 =	sadd.s32 $0x1000, s4;
	[sflag:s23] =	ssyncadd.s32 $0xFFFFE600  }
0x6e: {  	[hbm4b:s0+s13] =	stream.strided.scatter [tilespmem:s22], [sflag:$0x4], $0x340, s14, s13, $0x38;
	[tilespmem:$0x35A0] =	vst v63  }
0x6f: {  	s0 =	sadd.s32 $0x1200, s4  }
0x70: {  	[hbm4b:s0+s13] =	stream.strided.scatter [tilespmem:s24], [sflag:$0x4], $0x340, s14, s13, $0x38;
	[tilespmem:$0x35A0] =	vst v63  }
0x71: {  	s0 =	sadd.s32 $0x1400, s4  }
0x72: {  	[hbm4b:s0+s13] =	stream.strided.scatter [tilespmem:s25], [sflag:$0x4], $0x340, s14, s13, $0x38;
	[tilespmem:$0x35A0] =	vst v63  }
0x73: {  	s0 =	sadd.s32 $0x1600, s4  }
0x74: {  	[hbm4b:s0+s13] =	stream.strided.scatter [tilespmem:s26], [sflag:$0x4], $0x340, s14, s13, $0x38;
	[tilespmem:$0x35A0] =	vst v63  }
0x75: {  	s0 =	sadd.s32 $0x1800, s4  }
0x76: {  	[hbm4b:s0+s13] =	stream.strided.scatter [tilespmem:s28], [sflag:$0x4], $0x340, s14, s13, $0x38;
	[tilespmem:$0x35A0] =	vst v63  }
0x77: {  	s0 =	sadd.s32 $0x1A00, s4  }
0x78: {  	[hbm4b:s0+s13] =	stream.strided.scatter [tilespmem:s29], [sflag:$0x4], $0x340, s14, s13, $0x38;
	[tilespmem:$0x35A0] =	vst v63  }
0x79: {  	s0 =	sadd.s32 $0x1C00, s4  }
0x7a: {  	[hbm4b:s0+s13] =	stream.strided.scatter [tilespmem:s30], [sflag:$0x4], $0x340, s14, s13, $0x38;
	[tilespmem:$0x35A0] =	vst v63  }
0x7b: {  	s4 =	sadd.s32 $0x1E00, s4  }
0x7c: {  	[hbm4b:s4+s13] =	stream.strided.scatter [tilespmem:s31], [sflag:$0x4], $0x340, s14, s13, $0x38;
	[tilespmem:$0x35A0] =	vst v63  }
0x7d: {  	_ =	swait.ge [sflag:s1], $0x340  }
0x7e: {  	[sflag:s1] =	ssyncset.done $0x0  }
0x7f: {  	[sflag:s1] =	ssyncadd.s32 $0xFFFFFCC0  }
0x80: {  	_ =	swait.ge [sflag:s1], $0x340  }
0x81: {  	[sflag:s1] =	ssyncset.done $0x0  }
0x82: {  	[sflag:s1] =	ssyncadd.s32 $0xFFFFFCC0  }
0x83: {  	_ =	swait.ge [sflag:s1], $0x340  }
0x84: {  	[sflag:s1] =	ssyncset.done $0x0  }
0x85: {  	[sflag:s1] =	ssyncadd.s32 $0xFFFFFCC0  }
0x86: {  	_ =	swait.ge [sflag:s1], $0x340  }
0x87: {  	[sflag:s1] =	ssyncset.done $0x0  }
0x88: {  	[sflag:s1] =	ssyncadd.s32 $0xFFFFFCC0  }
0x89: {  	_ =	swait.ge [sflag:s1], $0x340  }
0x8a: {  	[sflag:s1] =	ssyncset.done $0x0  }
0x8b: {  	[sflag:s1] =	ssyncadd.s32 $0xFFFFFCC0  }
0x8c: {  	_ =	swait.ge [sflag:s1], $0x340  }
0x8d: {  	[sflag:s1] =	ssyncset.done $0x0  }
0x8e: {  	[sflag:s1] =	ssyncadd.s32 $0xFFFFFCC0  }
0x8f: {  	p0 =	seq.s32 s5, $0x3E000;
	_ =	swait.ge [sflag:s1], $0x340  }
.Ltmp2:
0x90: {  	[sflag:s1] =	ssyncset.done $0x0;
	(pc) =	sbr.rel @p0 .LBB2_4-.Ltmp2, $4  }
0x91: {  	[sflag:s1] =	ssyncadd.s32 $0xFFFFFCC0  }
0x92: {  	_ =	swait.ge [sflag:s1], $0x340  }
0x93: {  	[sflag:s1] =	ssyncset.done $0x0  }
0x94: {  	[sflag:s1] =	ssyncadd.s32 $0xFFFFFCC0  }
0x95: {  	[tilespmem:s2], [sflag:$0x5] =	stream.linear.gather [hbm4b:s6+s2], $0xD0, $0x38;
	[tilespmem:$0x35A0] =	vst v63  }
.Ltmp3:
0x96: {  	_ = 	snop;
	(pc) =	sbr.rel .LBB2_2-.Ltmp3, $4  }
0x97: {  	_ =	swait.ge [sflag:s9], $0xD0  }
0x98: {  	s6 =	sadd.s32 $0x34, s6;
	[sflag:s9] =	ssyncset.done $0x0  }
0x99: {  	s7 =	sadd.s32 $0x34, s7;
	s5 =	sadd.s32 $0x2000, s5;
	[sflag:s9] =	ssyncadd.s32 $0xFFFFFF30  }
0x9a: {  	[tilespmem:s11], [sflag:$0x1] =	stream.indirect.gather [hbm4b:s3+s10], $0x20, s2, s10, $0xb8;
	[tilespmem:$0x35A0] =	vst v63  }
.LBB2_5:
0x9b: {  	_ =	sfence.sel $0x180000  }
0x9c: {  	[bflag:$0x0] =	sbarrier.arrive $0xFFFF  }
0x9d: {  	_ =	strace $0x90000047  }
0x9e: {  	s0 =	stileid.u32;
	[bflag:$0x2] =	sbarrier.arrive $0xFFFF  }
0x9f: {  	p0 =	sne.s32 s0, $0x0;
	s0 =	rddreg [dreg:$0x2]  }
0xa0: {  	s0 =	sadd.s32 @!p0 $0x100000, s0  }
0xa1: {  	[sflag:s0] =	ssyncadd.tile.s32 @!p0 $0x1;
	_ =	shalt  }
.Lfunc_end2:
_tile_overlayer_lowered:
.L_overlay_start_2:
0xa2: {  	(tag) =	ssettag $0x2  }
0xa3: {  	s0 =	rddreg [dreg:$0x0];
	s2 =	stileid.u32  }
0xa4: {  	s1 =	rddreg [dreg:$0x1];
	p0 =	sne.s32 s2, $0x0  }
0xa5: {  	s3 =	rddreg [dreg:$0x2];
	[bflag:$0x3] =	sbarrier.arrive $0xFFFF;
	s2 =	simm.s32 @!p0 $0x1C05  }
0xa6: {  	[timem:s3], [sflag:s2] =	dma.local @!p0 [hbm:s0], s1  }
0xa7: {  	s0 =	simm.s32 @!p0 $0x5  }
0xa8: {  	_ =	swait.ge @!p0 [sflag:s0], s1  }
0xa9: {  	s1 =	ssub.s32 @!p0 $0x0, s1;
	[sflag:s0] =	ssyncset.done @!p0 $0x0  }
0xaa: {  	[sflag:s0] =	ssyncadd.s32 @!p0 s1  }
0xab: {  	[bflag:$0x3] =	sbarrier.arrive $0xFFFF  }
0xac: {  	_ =	shalt  }

// kernel: sparse-core-data-format-call.cloned.1.call-start
scs
called_computation_lowered:
.L_overlay_start_0:
0x0: {  	s2 =	sld [smem:$0x3FD9]  }
0x1: {  	s3 =	sld [smem:$0x3FFE];
	_ =	sdelay $0x1  }
0x2: {  	s1 =	srdreg.scid  }
0x3: {  	s0 =	sand.u32 $0x1, s1  }
0x4: {  	s18 =	sshll.u32 s0, $0xA;
	s2 =	sadd.s32 s3, s2  }
0x5: {  	s2 =	sadd.s32 s2, s18  }
0x6: {  	[smem:$0x3FC6] =	sst s2  }
0x7: {  	_ = 	snop  }
0x8: {  	s2 =	sld [smem:$0x3FD0];
	(tm) =	ssettm $0x1  }
0x9: {  	s19 =	sld [smem:$0x3FFB];
	_ =	sdelay $0x3  }
0xa: {  	_ =	strace s19  }
0xb: {  	s3 =	sld [smem:$0x3FFC];
	_ =	sdelay $0x3  }
0xc: {  	_ =	strace s3  }
0xd: {  	s3 =	sld [smem:$0x3FFD];
	_ =	sdelay $0x3  }
0xe: {  	_ =	strace s3  }
0xf: {  	_ =	strace $0x8FFFFFFF  }
0x10: {  	s20 =	sld [smem:$0x3FDB];
	_ =	sdelay $0x1  }
0x11: {  	s4 =	simm.s32 $_scs_section_size  }
0x12: {  	s5 =	simm.s32 $_size__tile_overlayer_lowered;
	s6 =	simm.s32 $_tile_overlayer_lowered  }
0x13: {  	s23 =	simm.s32 $0x1BFF;
	s22 =	sshll.u32 s6, $0x1;
	s3 =	sadd.s32 s4, s20  }
0x14: {  	s7 =	simm.s32 $0x0;
	s21 =	sshll.u32 s5, $0x1;
	s5 =	sadd.s32 s22, s3  }
0x15: {  	[timem:s7], [sflag:s23] =	dma.local [hbm:s5], s21  }
0x16: {  	_ =	swait.ge [sflag:s23], s21  }
0x17: {  	s4 =	ssub.s32 $0x0, s21;
	[sflag:s23] =	ssyncset.done $0x0  }
0x18: {  	[sflag:s23] =	ssyncadd.s32 s4;
	_ =	sdelay $0x1  }
0x19: {  	s24 =	simm.s32 $0x1B8B  }
0x1a: {  	_ =	swait.ge [sflag:s24], $0x1  }
0x1b: {  	[sflag:s24] =	ssyncset.done $0x0  }
0x1c: {  	s26 =	simm.s32 $0x1B8E;
	s25 =	sld [smem:$0x3FFE];
	[sflag:s24] =	ssyncadd.s32 $0xFFFFFFFF  }
0x1d: {  	s27 =	simm.s32 $execute0_lowered;
	[smem:$0x3FD2] =	sst s26  }
0x1e: {  	s5 =	sshll.u32 s27, $0x1;
	_ =	strace $0x80000049;
	[dreg:$0x1] =	wrdreg $0xFFFFFFFF  }
0x1f: {  	s28 =	simm.s32 $_size_execute0_lowered;
	s3 =	sadd.s32 s3, s5;
	[dreg:$0x0] =	wrdreg $0x0  }
0x20: {  	s5 =	sshll.u32 s28, $0x1;
	[dreg:$0x2] =	wrdreg s3  }
0x21: {  	[dreg:$0x3] =	wrdreg s5  }
0x22: {  	[dreg:$0x4] =	wrdreg $0xC0  }
0x23: {  	_ =	task [dreg:s7], $0x5FFFF  }
0x24: {  	[dreg:$0x1] =	wrdreg $0xFFFFFFFF  }
0x25: {  	[dreg:$0x0] =	wrdreg $0x60  }
0x26: {  	[dreg:$0x2] =	wrdreg s25  }
0x27: {  	[dreg:$0x3] =	wrdreg s2  }
0x28: {  	[dreg:$0x4] =	wrdreg $0x9  }
0x29: {  	_ =	task.clear_ibuf [dreg:s7], $0x5FFFF;
	_ =	strace $0x90000049  }
0x2a: {  	s29 =	simm.s32 $0x9;
	_ =	strace $0x8000004B  }
0x2b: {  	_ =	swait.ge [sflag:s29], $0x1  }
0x2c: {  	[sflag:s29] =	ssyncadd.s32 $0xFFFFFFFF  }
0x2d: {  	_ =	strace $0x9000004B  }
0x2e: {  	_ =	sfence  }
0x2f: {  	s30 =	sld [smem:$0x0];
	_ =	sdelay $0x2  }
0x30: {  	s31 =	sshll.u32 s1, $0xD;
	s1 =	sshrl.u32 s1, $0x2  }
0x31: {  	s3 =	sand.u32 $0x4000, s31;
	s1 =	sadd.s32 s1, s30  }
0x32: {  	s0 =	sor.u32 s3, s0;
	s1 =	sshll.u32 s1, $0x11  }
0x33: {  	s0 =	sor.u32 s1, s0  }
0x34: {  	s0 =	sadd.s32 $0x8F2B, s0  }
0x35: {  	[sflag:s0] =	ssyncadd.remote.s32 $0x1  }
0x36: {  	_ =	sfence.sel $0xFFFF  }
0x37: {  	[dreg:$0x0] =	wrdreg $0xFFFFFFFF;
	(pc) =	sbr.abs _section_cstart, $3  }
0x38: {  	[dreg:$0x1] =	wrdreg $0xFFFFFFFF  }
0x39: {  	_ =	task.clear_ibuf [dreg:s7], $0x2FFFF;
	_ =	strace $0x9FFFFFFF  }
0x3a: {  	(tm) =	ssettm $0x7FFFFFFF  }
0x3b: {  	_ =	shalt  }
tec
execute0_lowered:
.L_overlay_start_1:
0x0: {  	(tag) =	ssettag $0x1  }
0x1: {  	s0 =	srdreg.scid  }
0x2: {  	s1 =	sshll.u32 s0, $0x4  }
0x3: {  	s0 =	stileid.u32;
	s1 =	sand.u32 $0x10, s1  }
0x4: {  	s1 =	sor.u32 s0, s1  }
0x5: {  	s6 =	rddreg [dreg:$0x0];
	s4 =	simm.s32 $0x1;
	s2 =	sshll.u32 s1, $0x7  }
0x6: {  	s7 =	simm.s32 $0x2;
	s12 =	simm.s32 $0x0;
	s1 =	ssub.s32 $0x4000, s2  }
0x7: {  	s8 =	simm.s32 $0x20000;
	s13 =	simm.s32 $0x0;
	s3 =	sand.u32 $0xF80, s1  }
0x8: {  	s9 =	simm.s32 $0x0;
	s5 =	sshrl.u32 s1, $0xC;
	p0 =	sne.s32 s3, $0x0  }
.Ltmp0:
0x9: {  	s1 =	rddreg [dreg:$0x2];
	s4 =	simm.s32 @!p0 $0x0;
	(pc) =	sbr.rel .LBB1_1-.Ltmp0, $4  }
0xa: {  	s11 =	simm.s32 $0x0;
	s3 =	rddreg [dreg:$0x1];
	s5 =	sadd.s32 s4, s5  }
0xb: {  	_ =	strace $0x8000004A;
	s4 =	simm.s32 $0x1;
	s5 =	smul.u32 $0x1A, s5  }
0xc: {  	s6 =	sadd.s32 $0xA00, s6;
	s10 =	smov.u32 s2;
	[sflag:s4] =	ssyncpa.u1 $0x0  }
0xd: {  	p0 =	por $0x0, $0x0;
	[sflag:s7] =	ssyncpa.u1 $0x0;
	s7 =	sor.u32 $0x1, s5  }
.LBB1_4:
0xe: {  	s16 =	sshll.u32 s13, $0x3;
	s17 =	sand.u32 $0x78, s13  }
0xf: {  	s30 =	sand.u32 $0xF800, s13;
	s12 =	sshll.u32 s12, $0x10;
	s16 =	sand.u32 $0x3C00, s16  }
0x10: {  	s31 =	sand.u32 $0x7, s13;
	s16 =	sor.u32 s17, s16;
	s17 =	sadd.s32 s3, s30  }
0x11: {  	s13 =	sshll.u32 s31, $0x12;
	s16 =	sshrl.u32 s16, $0x3;
	s12 =	sadd.s32 s12, s17  }
0x12: {  	[tilespmem:s15+$0x0 ss:$0x81] =	vst.msk $0xffff, v0;
	s13 =	sor.u32 $0x400, s13;
	s12 =	sadd.s32 s16, s12  }
0x13: {  	[hbm4b:s12+s13] =	stream.strided.scatter [tilespmem:s14], [sflag:$0x2], $0x1000, s8, s13, $0x20;
	[tilespmem:$0x4040] =	vst v63  }
.LBB1_5:
0x14: {  	s14 =	sadd.s32 $0x1, s9  }
0x15: {  	s12 =	sadd.s32 $0x1000, s10;
	s16 =	smov.u32 s10;
	p2 =	sgt.s32 s14, $0x19  }
0x16: {  	s16 =	smov.u32 @p2 s12  }
0x17: {  	s14 =	simm.s32 @p2 $0x0;
	p2 =	sgt.s32 s16, $0x3FFF  }
0x18: {  	s16 =	smov.u32 @p2 s2;
	p2 =	sne.s32 s11, s7  }
.Ltmp1:
0x19: {  	p1 =	slt.u32 s11, $0x2;
	(pc) =	sbr.rel @!p2 .LBB1_6-.Ltmp1, $4  }
0x1a: {  	s15 =	simm.s32 @!p1 $0x2  }
0x1b: {  	s13 =	smov.u32 s10;
	p0 =	por !p0, !p0;
	_ =	swait.ge @!p1 [sflag:s15], $0x1000  }
0x1c: {  	s12 =	smov.u32 s9;
	[sflag:s15] =	ssyncset.done @!p1 $0x0;
	s9 =	smov.u32 s14  }
0x1d: {  	s11 =	sadd.s32 $0x1, s11;
	[sflag:s15] =	ssyncadd.s32 @!p1 $0xFFFFF000;
	s10 =	smov.u32 s16  }
.LBB1_1:
0x1e: {  	p1 =	sge.u32 s11, s5  }
0x1f: {  	s31 =	sadd.s32 $0xFFFFFFFF, s11;
	s14 =	sxor.u32 @!p1 $0xFFFFFFFF, s11  }
0x20: {  	s15 =	sshll.u32 @!p1 s10, $0x9;
	s16 =	sshll.u32 @!p1 s9, $0x4;
	s17 =	simm.s32 @!p1 $0x1000  }
0x21: {  	s14 =	sshll.u32 @!p1 s14, $0xC;
	s16 =	sand.u32 @!p1 $0x1F0, s16;
	s15 =	sadd.s32 @!p1 s6, s15  }
0x22: {  	s14 =	sand.u32 @!p1 $0x1000, s14;
	s15 =	sadd.s32 @!p1 s16, s15;
	s16 =	simm.s32 @!p1 $0x20  }
0x23: {  	[tilespmem:s14], [sflag:$0x1] =	stream.strided.gather @!p1 [hbm4b:s15+s16], $0x1000, s17, s16, $0x38;
	[tilespmem:$0x4040] =	vst v63  }
0x24: {  	p1 =	sge.u32 s31, s5  }
.Ltmp2:
0x25: {  	_ = 	snop;
	(pc) =	sbr.rel @p1 .LBB1_5-.Ltmp2, $1  }
0x26: {  	_ =	sdelay $0x3  }
0x27: {  	s14 =	simm.s32 $0x1  }
0x28: {  	_ =	swait.ge [sflag:s4], $0x1000;
	s14 =	simm.s32 @!p0 $0x0  }
0x29: {  	[sflag:s4] =	ssyncset.done $0x0;
	s15 =	sshll.u32 s14, $0xC  }
0x2a: {  	[sflag:s4] =	ssyncadd.s32 $0xFFFFF000;
	s18 =	sor.u32 $0x10, s15  }
0x2b: {  	s14 =	smul.u32 $0x4080, s14;
	v1 =	vld [tilespmem:s18+$0x0]  }
0x2c: {  	s30 =	sand.u32 $0x1, s11;
	v0 =	vld [tilespmem:s18+$0xFFFFFFF0]  }
0x2d: {  	s15 =	smul.u32 $0x4080, s30;
	s14 =	sshrl.u32 s14, $0x2  }
0x2e: {  	s16 =	sor.u32 $0x2000, s14  }
0x2f: {  	s31 =	sshrl.u32 s15, $0x2;
	s15 =	sadd.s32 $0x0, s16  }
0x30: {  	s17 =	simm.s32 $0x4;
	s18 =	sadd.s32 $0x20, s18;
	s14 =	sor.u32 $0x2000, s31;
	[tilespmem:s15+$0x810 ss:$0x81] =	vst.msk $0xffff, v1  }
.LBB1_3:
0x31: {  	v1 =	vld [tilespmem:s18+$0x0];
	p1 =	sne.s32 s17, $0x1FC;
	[tilespmem:s15+$0x0 ss:$0x81] =	vst.msk $0xffff, v0;
	s15 =	smov.u32 s17;
	s17 =	sadd.s32 $0x4, s17  }
.Ltmp3:
0x32: {  	v0 =	vld [tilespmem:s18+$0xFFFFFFF0];
	(pc) =	sbr.rel @p1 .LBB1_3-.Ltmp3, $4  }
0x33: {  	_ = 	snop  }
0x34: {  	s15 =	sshra.s32 s15, $0x2  }
0x35: {  	s15 =	sadd.s32 s15, s16  }
0x36: {  	s18 =	sadd.s32 $0x20, s18;
	[tilespmem:s15+$0x810 ss:$0x81] =	vst.msk $0xffff, v1  }
.Ltmp4:
0x37: {  	_ = 	snop;
	(pc) =	sbr.rel .LBB1_4-.Ltmp4, $1  }
0x38: {  	_ =	sdelay $0x3  }
.LBB1_6:
0x39: {  	_ =	sfence.sel $0x180000  }
0x3a: {  	s2 =	simm.s32 $0x1;
	[bflag:$0x0] =	sbarrier.arrive $0xFFFF  }
0x3b: {  	s31 =	simm.s32 $0x2;
	[sflag:s2] =	ssyncpa.u1 $0x1  }
0x3c: {  	[sflag:s31] =	ssyncpa.u1 $0x1  }
0x3d: {  	p0 =	sne.s32 s0, $0x0;
	_ =	strace $0x9000004A  }
0x3e: {  	s0 =	sadd.s32 @!p0 $0x100000, s1;
	[bflag:$0x2] =	sbarrier.arrive $0xFFFF  }
0x3f: {  	[sflag:s0] =	ssyncadd.tile.s32 @!p0 $0x1;
	_ =	shalt  }
.Lfunc_end1:
_tile_overlayer_lowered:
.L_overlay_start_2:
0x40: {  	(tag) =	ssettag $0x2  }
0x41: {  	s0 =	rddreg [dreg:$0x0];
	s2 =	stileid.u32  }
0x42: {  	s1 =	rddreg [dreg:$0x1];
	p0 =	sne.s32 s2, $0x0  }
0x43: {  	s3 =	rddreg [dreg:$0x2];
	[bflag:$0x3] =	sbarrier.arrive $0xFFFF;
	s2 =	simm.s32 @!p0 $0x1C01  }
0x44: {  	[timem:s3], [sflag:s2] =	dma.local @!p0 [hbm:s0], s1  }
0x45: {  	s0 =	simm.s32 @!p0 $0x1  }
0x46: {  	_ =	swait.ge @!p0 [sflag:s0], s1  }
0x47: {  	s1 =	ssub.s32 @!p0 $0x0, s1;
	[sflag:s0] =	ssyncset.done @!p0 $0x0  }
0x48: {  	[sflag:s0] =	ssyncadd.s32 @!p0 s1  }
0x49: {  	[bflag:$0x3] =	sbarrier.arrive $0xFFFF  }
0x4a: {  	_ =	shalt  }

</sc_bundles>
